<compile_context>
chip_gen: v7x
topology: tpu7x:2x2x1
jax: 0.10.2.dev20260603
libtpu: 0.0.44.dev20260713+nightly
codegen_flags: <defaults>
</compile_context>

<pallas_src>
import functools

import jax
import jax.numpy as jnp
from jax import lax
from jax.experimental import pallas as pl
from jax.experimental.pallas import tpu as pltpu
from jax.experimental.pallas import tpu_sc as plsc

_N = 256
_D = 512
_E = 16384
_EB = 2048
_NTC = 6
_F32 = jnp.float32
_BF16 = jnp.bfloat16
_I32 = jnp.int32

_E_SC0 = _NTC * _EB
_NEG = 8
_NDG = 4
_EPW = (_E - _E_SC0) // _NEG
_DG = _D // _NDG
_CH = 128
_NCH = _EPW // _CH


def _dot3(a, b):
    a_hi = a.astype(_BF16)
    a_lo = (a - a_hi.astype(_F32)).astype(_BF16)
    b_hi = b.astype(_BF16)
    b_lo = (b - b_hi.astype(_F32)).astype(_BF16)
    d = jnp.dot(a_hi, b_hi, preferred_element_type=_F32)
    d += jnp.dot(a_hi, b_lo, preferred_element_type=_F32)
    d += jnp.dot(a_lo, b_hi, preferred_element_type=_F32)
    return d


def _gram3(a):
    dn = (((1,), (1,)), ((), ()))
    a_hi = a.astype(_BF16)
    a_lo = (a - a_hi.astype(_F32)).astype(_BF16)
    g = lax.dot_general(a_hi, a_hi, dn, preferred_element_type=_F32)
    g += lax.dot_general(a_hi, a_lo, dn, preferred_element_type=_F32)
    g += lax.dot_general(a_lo, a_hi, dn, preferred_element_type=_F32)
    return g


def _prep_body(obj_ref, ws_w_ref, ws_b_ref, wo_w_ref, wo_b_ref, w_w_ref,
               conv_w_ref, conv_b_ref, ln1_g_ref, ln1_b_ref,
               s_ref, o_ref, sbf_ref, obf_ref, conv_ref, omega_ref):
    obj = obj_ref[...]
    s = jnp.dot(obj, ws_w_ref[...], preferred_element_type=_F32)
    s_mod = (s + ws_b_ref[...]) * w_w_ref[...]
    o = jnp.dot(obj, wo_w_ref[...], preferred_element_type=_F32)
    o_mod = o + wo_b_ref[...]
    s_ref[...] = s_mod
    o_ref[...] = o_mod
    sbf_ref[...] = s_mod.astype(_BF16)
    obf_ref[...] = o_mod.astype(_BF16)

    g = _gram3(obj)
    rows = lax.broadcasted_iota(_I32, (_N, _N), 0)
    cols = lax.broadcasted_iota(_I32, (_N, _N), 1)
    eye = (rows == cols).astype(_F32)
    diag_col = jnp.sum(g * eye, axis=1, keepdims=True)
    diag_row = jnp.sum(g * eye, axis=0, keepdims=True)
    n2 = jnp.maximum(diag_col + diag_row - 2.0 * g, 0.0)
    omega = jnp.where(n2 < 0.25, 4.0, 0.0)
    omega = jnp.where((n2 >= 0.25) & (n2 < 1.0),
                      1.0 / jnp.maximum(n2, 1e-10), omega)
    omega_ref[...] = jnp.where(rows == cols, 0.0, omega)

    mu = jnp.mean(obj, axis=1, keepdims=True)
    xc = obj - mu
    var = jnp.mean(xc * xc, axis=1, keepdims=True)
    xn = xc / jnp.sqrt(var + 1e-5) * ln1_g_ref[...] + ln1_b_ref[...]
    conv_ref[...] = jax.nn.relu(_dot3(xn, conv_w_ref[...]) + conv_b_ref[...])


def _tc_edge_body(src_ref, dst_ref, phr_ref, s_ref, o_ref, wb_ref, atten_ref):
    src = src_ref[0, 0, :]
    dst = dst_ref[0, 0, :]
    ids = lax.broadcasted_iota(_I32, (_EB, _N), 1)
    oh_s = (src[:, None] == ids).astype(_BF16)
    oh_d = (dst[:, None] == ids).astype(_BF16)
    gs = jnp.dot(oh_s, s_ref[...], preferred_element_type=_F32)
    go = jnp.dot(oh_d, o_ref[...], preferred_element_type=_F32)
    t = gs * go * phr_ref[...]
    af = jnp.sum(t, axis=1) + wb_ref[0, 0]
    weighted = oh_s * af[:, None].astype(_BF16)
    contrib = lax.dot_general(weighted, oh_d, (((0,), (0,)), ((), ())),
                              preferred_element_type=_F32)

    @pl.when(pl.program_id(0) == 0)
    def _():
        atten_ref[...] = jnp.zeros_like(atten_ref)

    atten_ref[...] += contrib


_sc_mesh = plsc.VectorSubcoreMesh(core_axis_name="c", subcore_axis_name="s")


@functools.partial(
    pl.kernel,
    out_type=jax.ShapeDtypeStruct((2, _N * _N), _F32),
    mesh=_sc_mesh,
    scratch_types=[
        pltpu.VMEM((_N, _DG), _F32),
        pltpu.VMEM((_N, _DG), _F32),
        pltpu.VMEM((_CH, _DG), _F32),
        pltpu.VMEM((_CH, _DG), _F32),
        pltpu.SemaphoreType.DMA,
        pltpu.SemaphoreType.DMA,
        pltpu.VMEM((_EPW,), _I32),
        pltpu.VMEM((_EPW,), _I32),
        pltpu.VMEM((_EPW,), _I32),
        pltpu.VMEM((_EPW,), _F32),
        pltpu.VMEM((16,), _F32),
        pltpu.VMEM_SHARED((_N * _N,), _F32),
    ],
    compiler_params=pltpu.CompilerParams(needs_layout_passes=False),
)
def _sc_edge(s_hbm, o_hbm, phr_hbm, src_hbm, dst_hbm, wb_hbm, zeros_hbm,
             out_hbm, s_v, o_v, phr_v0, phr_v1, sem0, sem1, src_v, dst_v,
             idx_v, val_v, wb_v, map_sh):
    c = lax.axis_index("c")
    s = lax.axis_index("s")
    w = s * 2 + c
    eg = w // _NDG
    dg = w % _NDG
    d0 = dg * _DG
    e0 = _E_SC0 + eg * _EPW

    pltpu.sync_copy(s_hbm.at[:, pl.ds(d0, _DG)], s_v)
    pltpu.sync_copy(o_hbm.at[:, pl.ds(d0, _DG)], o_v)
    pltpu.sync_copy(src_hbm.at[pl.ds(e0, _EPW)], src_v)
    pltpu.sync_copy(dst_hbm.at[pl.ds(e0, _EPW)], dst_v)
    pltpu.sync_copy(wb_hbm, wb_v)

    @pl.when(s == 0)
    def _():
        pltpu.sync_copy(zeros_hbm, map_sh)

    plsc.subcore_barrier()

    lanes = lax.iota(_I32, 16)
    wb = wb_v[...]
    base_acc = jnp.where(dg == 0, wb, jnp.zeros((16,), _F32))

    def _phr_start(ch, buf, sem):
        pltpu.async_copy(
            phr_hbm.at[pl.ds(e0 + ch * _CH, _CH), pl.ds(d0, _DG)], buf, sem)

    def _phr_wait(buf, sem):
        pltpu.make_async_copy(phr_hbm.at[pl.ds(e0, _CH), pl.ds(d0, _DG)],
                              buf, sem).wait()

    def _do_chunk(ch, phr_v):
        def _group(g, carry2):
            base = ch * _CH + g * 16
            src_g = src_v[pl.ds(base, 16)]
            dst_g = dst_v[pl.ds(base, 16)]
            lrow = lanes + g * 16

            def _dstep(dd, acc):
                prods = []
                for k in range(8):
                    col = (jnp.full((16,), dd * 8 + k, _I32) + lanes) & (_DG - 1)
                    sv = plsc.load_gather(s_v, [src_g, col])
                    ov = plsc.load_gather(o_v, [dst_g, col])
                    pv = plsc.load_gather(phr_v, [lrow, col])
                    prods.append(sv * ov * pv)
                p01 = prods[0] + prods[1]
                p23 = prods[2] + prods[3]
                p45 = prods[4] + prods[5]
                p67 = prods[6] + prods[7]
                return acc + ((p01 + p23) + (p45 + p67))

            acc = lax.fori_loop(0, _DG // 8, _dstep, base_acc)
            val_v[pl.ds(base, 16)] = acc
            idx_v[pl.ds(base, 16)] = src_g * _N + dst_g
            return carry2

        lax.fori_loop(0, _CH // 16, _group, 0)

    _phr_start(0, phr_v0, sem0)

    def _pair(j, carry):
        ch = j * 2
        _phr_start(ch + 1, phr_v1, sem1)
        _phr_wait(phr_v0, sem0)
        _do_chunk(ch, phr_v0)

        @pl.when(j < _NCH // 2 - 1)
        def _():
            _phr_start(ch + 2, phr_v0, sem0)

        _phr_wait(phr_v1, sem1)
        _do_chunk(ch + 1, phr_v1)
        return carry

    lax.fori_loop(0, _NCH // 2, _pair, 0)

    pltpu.sync_copy(val_v, map_sh.at[idx_v], add=True)
    plsc.subcore_barrier()

    @pl.when(s == 0)
    def _():
        pltpu.sync_copy(map_sh, out_hbm.at[c])


def _finish_body(atten_ref, maps_ref, omega_ref, conv_ref, obj_ref,
                 ln2_g_ref, ln2_b_ref, t1w_ref, t1b_ref, t2w_ref, t2b_ref,
                 out_ref):
    atten = atten_ref[...] + maps_ref[:_N, :] + maps_ref[_N:, :]
    rows = lax.broadcasted_iota(_I32, (_N, _N), 0)
    cols = lax.broadcasted_iota(_I32, (_N, _N), 1)
    a = atten - jnp.where(rows == cols, 10000.0, 0.0)
    m = jnp.max(a, axis=1, keepdims=True)
    ex = jnp.exp(a - m)
    sm = ex / jnp.sum(ex, axis=1, keepdims=True)
    am = omega_ref[...] * sm
    context = _dot3(am, conv_ref[...])
    outputs = obj_ref[...] + context
    mu = jnp.mean(outputs, axis=1, keepdims=True)
    xc = outputs - mu
    var = jnp.mean(xc * xc, axis=1, keepdims=True)
    xn = xc / jnp.sqrt(var + 1e-5) * ln2_g_ref[...] + ln2_b_ref[...]
    h = jax.nn.relu(_dot3(xn, t1w_ref[...]) + t1b_ref[...])
    trans = _dot3(h, t2w_ref[...]) + t2b_ref[...]
    out_ref[...] = jax.nn.relu(outputs + trans)


def _full(shape):
    return pl.BlockSpec(shape, lambda *_: tuple(0 for _ in shape))


def kernel(obj_feats, phr_feats, pair_idxs, ws_w, ws_b, wo_w, wo_b, w_w, w_b,
           conv_w, conv_b, ln1_g, ln1_b, ln2_g, ln2_b,
           trans1_w, trans1_b, trans2_w, trans2_b):
    s_mat, o_mat, s_bf, o_bf, conv_out, omega = pl.pallas_call(
        _prep_body,
        grid=(1,),
        in_specs=[
            _full((_N, _D)), _full((_D, _D)), _full((1, _D)),
            _full((_D, _D)), _full((1, _D)), _full((1, _D)),
            _full((_D, _D)), _full((1, _D)), _full((1, _D)), _full((1, _D)),
        ],
        out_specs=[
            _full((_N, _D)), _full((_N, _D)), _full((_N, _D)),
            _full((_N, _D)), _full((_N, _D)), _full((_N, _N)),
        ],
        out_shape=[
            jax.ShapeDtypeStruct((_N, _D), _F32),
            jax.ShapeDtypeStruct((_N, _D), _F32),
            jax.ShapeDtypeStruct((_N, _D), _BF16),
            jax.ShapeDtypeStruct((_N, _D), _BF16),
            jax.ShapeDtypeStruct((_N, _D), _F32),
            jax.ShapeDtypeStruct((_N, _N), _F32),
        ],
    )(obj_feats, ws_w, ws_b.reshape(1, _D), wo_w, wo_b.reshape(1, _D),
      w_w.reshape(1, _D), conv_w, conv_b.reshape(1, _D),
      ln1_g.reshape(1, _D), ln1_b.reshape(1, _D))

    src = pair_idxs[:, 0]
    dst = pair_idxs[:, 1]
    wb16 = jnp.full((16,), w_b[0], _F32)
    zeros_map = jnp.zeros((_N * _N,), _F32)
    maps = _sc_edge(s_mat, o_mat, phr_feats, src, dst, wb16, zeros_map)

    src3 = src[:_E_SC0].reshape(_NTC, 1, _EB)
    dst3 = dst[:_E_SC0].reshape(_NTC, 1, _EB)
    atten_tc = pl.pallas_call(
        _tc_edge_body,
        grid=(_NTC,),
        in_specs=[
            pl.BlockSpec((1, 1, _EB), lambda i: (i, 0, 0)),
            pl.BlockSpec((1, 1, _EB), lambda i: (i, 0, 0)),
            pl.BlockSpec((_EB, _D), lambda i: (i, 0)),
            pl.BlockSpec((_N, _D), lambda i: (0, 0)),
            pl.BlockSpec((_N, _D), lambda i: (0, 0)),
            pl.BlockSpec(memory_space=pltpu.SMEM),
        ],
        out_specs=pl.BlockSpec((_N, _N), lambda i: (0, 0)),
        out_shape=jax.ShapeDtypeStruct((_N, _N), _F32),
    )(src3, dst3, phr_feats, s_bf, o_bf, w_b.reshape(1, 1))

    return pl.pallas_call(
        _finish_body,
        grid=(1,),
        in_specs=[
            _full((_N, _N)), _full((2 * _N, _N)), _full((_N, _N)),
            _full((_N, _D)), _full((_N, _D)), _full((1, _D)), _full((1, _D)),
            _full((_D, 2 * _D)), _full((1, 2 * _D)),
            _full((2 * _D, _D)), _full((1, _D)),
        ],
        out_specs=_full((_N, _D)),
        out_shape=jax.ShapeDtypeStruct((_N, _D), _F32),
    )(atten_tc, maps.reshape(2 * _N, _N), omega, conv_out, obj_feats,
      ln2_g.reshape(1, _D), ln2_b.reshape(1, _D), trans1_w,
      trans1_b.reshape(1, 2 * _D), trans2_w, trans2_b.reshape(1, _D))

# --- scband reference (transcript-rebuilt; emitter-appended) ---
"""Pipeline reference for scband-runet-context-56667798503491 (READ-ONLY COPY).

The authoritative reference and input builder live on the scoring server;
editing this copy changes nothing except your own understanding.
"""

import jax, jax.numpy as jnp
import numpy as np

N = 256
E = 16384
D = 512
P = 1
TAU = 0.5
TAU_PM2 = 4.0
T_THR = 1.0


def _layer_norm(x, g, b, eps=1e-5):
    mu = jnp.mean(x, axis=-1, keepdims=True)
    var = jnp.var(x, axis=-1, keepdims=True)
    return (x - mu) / jnp.sqrt(var + eps) * g + b


def setup_inputs(seed: int = 0) -> dict:
    key = jax.random.key(seed)
    ks = jax.random.split(key, 12)
    w = 0.04
    inp = {
        "obj_feats": jax.random.normal(ks[0], (N, D), dtype=jnp.float32) * 0.03,
        "phr_feats": jax.random.normal(ks[1], (E, D), dtype=jnp.float32),
        "pair_idxs": jax.random.randint(ks[2], (E, 2), 0, N, dtype=jnp.int32),
        "ws_w": jax.random.normal(ks[3], (D, D), dtype=jnp.float32) * w,
        "ws_b": jnp.zeros((D,), jnp.float32),
        "wo_w": jax.random.normal(ks[4], (D, D), dtype=jnp.float32) * w,
        "wo_b": jnp.zeros((D,), jnp.float32),
        "w_w": jax.random.normal(ks[5], (D, P), dtype=jnp.float32) * w,
        "w_b": jnp.zeros((P,), jnp.float32),
        "conv_w": jax.random.normal(ks[6], (D, D), dtype=jnp.float32) * w,
        "conv_b": jnp.zeros((D,), jnp.float32),
        "ln1_g": jnp.ones((D,), jnp.float32),
        "ln1_b": jnp.zeros((D,), jnp.float32),
        "ln2_g": jnp.ones((D,), jnp.float32),
        "ln2_b": jnp.zeros((D,), jnp.float32),
        "trans1_w": jax.random.normal(ks[7], (D, 2 * D), dtype=jnp.float32) * w,
        "trans1_b": jnp.zeros((2 * D,), jnp.float32),
        "trans2_w": jax.random.normal(ks[8], (2 * D, D), dtype=jnp.float32) * w,
        "trans2_b": jnp.zeros((D,), jnp.float32),
    }
    return inp


def reference(obj_feats, phr_feats, pair_idxs, ws_w, ws_b, wo_w, wo_b, w_w, w_b,
              conv_w, conv_b, ln1_g, ln1_b, ln2_g, ln2_b,
              trans1_w, trans1_b, trans2_w, trans2_b):
    n = obj_feats.shape[0]
    # Get_Atten_map_mc_clear
    diff = obj_feats[:, None, :] - obj_feats[None, :, :]
    norm_mat = jnp.linalg.norm(diff, axis=-1, keepdims=True)
    s = obj_feats @ ws_w + ws_b
    o = obj_feats @ wo_w + wo_b
    atten_f = (s[pair_idxs[:, 0]] * o[pair_idxs[:, 1]] * phr_feats) @ w_w + w_b
    atten_tensor = jnp.zeros((n, n, P), obj_feats.dtype).at[pair_idxs[:, 0], pair_idxs[:, 1]].add(atten_f)
    eye = jnp.eye(n, dtype=obj_feats.dtype)[:, :, None]
    atten_tensor = atten_tensor - eye * 10000.0
    atten_map = jax.nn.softmax(atten_tensor, axis=1)
    Omega = jnp.where(norm_mat < TAU, TAU_PM2, 0.0).astype(obj_feats.dtype)
    eye_b = jnp.eye(n, dtype=bool)[:, :, None]
    Omega = jnp.where(eye_b, 0.0, Omega)
    Omega = jnp.where((norm_mat >= TAU) & (norm_mat < T_THR),
                      jnp.maximum(norm_mat, 1e-5) ** (-2.0), Omega)
    atten_map = Omega * atten_map
    # Message_Passing4OBJ
    conv_out = jax.nn.relu(_layer_norm(obj_feats, ln1_g, ln1_b) @ conv_w + conv_b)
    context = atten_map[..., 0] @ conv_out
    outputs = obj_feats + context
    trans = jax.nn.relu(_layer_norm(outputs, ln2_g, ln2_b) @ trans1_w + trans1_b) @ trans2_w + trans2_b
    return jax.nn.relu(outputs + trans)

if __name__ == "__main__":
    import jax
    _d = setup_inputs()
    print(jax.jit(kernel)(*tuple(_d.values())))

</pallas_src>

<mosaic_0001>
#map = affine_map<(d0, d1) -> (0, 0)>
#map1 = affine_map<(d0, d1) -> (0)>
module attributes {stable_mosaic.version = 14 : i64} {
  func.func @_sc_edge(%arg0: i32, %arg1: i32, %arg2: memref<256x512xf32, #tpu.memory_space<hbm>>, %arg3: memref<256x512xf32, #tpu.memory_space<hbm>>, %arg4: memref<16384x512xf32, #tpu.memory_space<hbm>>, %arg5: memref<16384xi32, #tpu.memory_space<hbm>>, %arg6: memref<16384xi32, #tpu.memory_space<hbm>>, %arg7: memref<16xf32, #tpu.memory_space<hbm>>, %arg8: memref<65536xf32, #tpu.memory_space<hbm>>, %arg9: memref<2x65536xf32, #tpu.memory_space<hbm>>, %arg10: memref<256x128xf32, #tpu.memory_space<vmem>>, %arg11: memref<256x128xf32, #tpu.memory_space<vmem>>, %arg12: memref<128x128xf32, #tpu.memory_space<vmem>>, %arg13: memref<128x128xf32, #tpu.memory_space<vmem>>, %arg14: memref<!tpu.dma_semaphore, #tpu.memory_space<semaphore_mem>>, %arg15: memref<!tpu.dma_semaphore, #tpu.memory_space<semaphore_mem>>, %arg16: memref<512xi32, #tpu.memory_space<vmem>>, %arg17: memref<512xi32, #tpu.memory_space<vmem>>, %arg18: memref<512xi32, #tpu.memory_space<vmem>>, %arg19: memref<512xf32, #tpu.memory_space<vmem>>, %arg20: memref<16xf32, #tpu.memory_space<vmem>>, %arg21: memref<65536xf32, #tpu.memory_space<vmem_shared>>) attributes {dimension_semantics = [#tpu.dimension_semantics<core_parallel>, #tpu.dimension_semantics<subcore_parallel>], iteration_bounds = array<i64: 2, 16>, scalar_prefetch = 0 : i64, scratch_operands = 12 : i64, tpu.core_type = #tpu.core_type<sc_vector_subcore>, window_params = [{transform_indices = #map}, {transform_indices = #map}, {transform_indices = #map}, {transform_indices = #map1}, {transform_indices = #map1}, {transform_indices = #map1}, {transform_indices = #map1}, {transform_indices = #map}]} {
    %mul3A = arith.constant 2 : i32
    %mul3A_0 = arith.muli %arg1, %mul3A : i32
    %add3A = arith.addi %mul3A_0, %arg0 : i32
    %jit3A = arith.constant 4 : i32
    %div3A = arith.divsi %add3A, %jit3A : i32
    %sign3A = arith.constant 0 : i32
    %sign3A_1 = arith.cmpi sgt, %add3A, %sign3A : i32
    %sign3A_2 = arith.extui %sign3A_1 : i1 to i32
    %sign3A_3 = arith.constant 0 : i32
    %sign3A_4 = arith.cmpi slt, %add3A, %sign3A_3 : i32
    %sign3A_5 = arith.extui %sign3A_4 : i1 to i32
    %sign3A_6 = arith.subi %sign3A_2, %sign3A_5 : i32
    %sign3A_7 = arith.constant 0 : i32
    %sign3A_8 = arith.cmpi sgt, %jit3A, %sign3A_7 : i32
    %sign3A_9 = arith.extui %sign3A_8 : i1 to i32
    %sign3A_10 = arith.constant 0 : i32
    %sign3A_11 = arith.cmpi slt, %jit3A, %sign3A_10 : i32
    %sign3A_12 = arith.extui %sign3A_11 : i1 to i32
    %sign3A_13 = arith.subi %sign3A_9, %sign3A_12 : i32
    %ne3A = arith.cmpi ne, %sign3A_6, %sign3A_13 : i32
    %rem3A = arith.remsi %add3A, %jit3A : i32
    %ne3A_14 = arith.constant 0 : i32
    %ne3A_15 = arith.cmpi ne, %rem3A, %ne3A_14 : i32
    %and3A = arith.andi %ne3A, %ne3A_15 : i1
    %sub3A = arith.constant 1 : i32
    %sub3A_16 = arith.subi %div3A, %sub3A : i32
    %select_n3A = arith.select %and3A, %sub3A_16, %div3A : i32
    %jit3A_17 = arith.constant 4 : i32
    %eq3A = arith.constant 0 : i32
    %eq3A_18 = arith.cmpi eq, %jit3A_17, %eq3A : i32
    %jit3A_19 = arith.constant 1 : i32
    %select_n3A_20 = arith.select %eq3A_18, %jit3A_19, %jit3A_17 : i32
    %rem3A_21 = arith.remsi %add3A, %select_n3A_20 : i32
    %ne3A_22 = arith.constant 0 : i32
    %ne3A_23 = arith.cmpi ne, %rem3A_21, %ne3A_22 : i32
    %lt3A = arith.constant 0 : i32
    %lt3A_24 = arith.cmpi slt, %rem3A_21, %lt3A : i32
    %lt3A_25 = arith.constant 0 : i32
    %lt3A_26 = arith.cmpi slt, %select_n3A_20, %lt3A_25 : i32
    %ne3A_27 = arith.xori %lt3A_24, %lt3A_26 : i1
    %and3A_28 = arith.andi %ne3A_27, %ne3A_23 : i1
    %add3A_29 = arith.addi %rem3A_21, %select_n3A_20 : i32
    %select_n3A_30 = arith.select %and3A_28, %add3A_29, %rem3A_21 : i32
    %mul3A_31 = arith.constant 128 : i32
    %mul3A_32 = arith.muli %select_n3A_30, %mul3A_31 : i32
    %mul3A_33 = arith.constant 512 : i32
    %mul3A_34 = arith.muli %select_n3A, %mul3A_33 : i32
    %add3A_35 = arith.constant 12288 : i32
    %add3A_36 = arith.addi %add3A_35, %mul3A_34 : i32
    "tpu.region"() ({
      %run_scoped3A = tpu.sem_alloc : memref<!tpu.dma_semaphore, #tpu.memory_space<semaphore_mem>>
      %dma_start3A_59 = arith.constant 0 : i32
      %dma_start3A_60 = tpu.memref_slice %arg2[%dma_start3A_59, %mul3A_32] : memref<256x512xf32, #tpu.memory_space<hbm>> -> memref<256x128xf32, #tpu.memory_space<hbm>>
      %dma_start3A_61 = arith.constant 0 : i32
      %dma_start3A_62 = tpu.memref_slice %arg2[%dma_start3A_61, %mul3A_32] : memref<256x512xf32, #tpu.memory_space<hbm>> -> memref<256x128xf32, #tpu.memory_space<hbm>>
      tpu.enqueue_dma source(%dma_start3A_62 : memref<256x128xf32, #tpu.memory_space<hbm>>) target(%arg10 : memref<256x128xf32, #tpu.memory_space<vmem>>) target_semaphore(%run_scoped3A : memref<!tpu.dma_semaphore, #tpu.memory_space<semaphore_mem>>)
      %dma_wait3A = arith.constant 0 : i32
      %dma_wait3A_63 = tpu.memref_slice %arg2[%dma_wait3A, %mul3A_32] : memref<256x512xf32, #tpu.memory_space<hbm>> -> memref<256x128xf32, #tpu.memory_space<hbm>>
      %dma_wait3A_64 = arith.constant 0 : i32
      %dma_wait3A_65 = tpu.memref_slice %arg2[%dma_wait3A_64, %mul3A_32] : memref<256x512xf32, #tpu.memory_space<hbm>> -> memref<256x128xf32, #tpu.memory_space<hbm>>
      tpu.wait_dma2 semaphore(%run_scoped3A : memref<!tpu.dma_semaphore, #tpu.memory_space<semaphore_mem>>) src(%dma_wait3A_65 : memref<256x128xf32, #tpu.memory_space<hbm>>) dst(%arg10 : memref<256x128xf32, #tpu.memory_space<vmem>>)
      tpu.yield
    }) : () -> ()
    "tpu.region"() ({
      %run_scoped3A = tpu.sem_alloc : memref<!tpu.dma_semaphore, #tpu.memory_space<semaphore_mem>>
      %dma_start3A_59 = arith.constant 0 : i32
      %dma_start3A_60 = tpu.memref_slice %arg3[%dma_start3A_59, %mul3A_32] : memref<256x512xf32, #tpu.memory_space<hbm>> -> memref<256x128xf32, #tpu.memory_space<hbm>>
      %dma_start3A_61 = arith.constant 0 : i32
      %dma_start3A_62 = tpu.memref_slice %arg3[%dma_start3A_61, %mul3A_32] : memref<256x512xf32, #tpu.memory_space<hbm>> -> memref<256x128xf32, #tpu.memory_space<hbm>>
      tpu.enqueue_dma source(%dma_start3A_62 : memref<256x128xf32, #tpu.memory_space<hbm>>) target(%arg11 : memref<256x128xf32, #tpu.memory_space<vmem>>) target_semaphore(%run_scoped3A : memref<!tpu.dma_semaphore, #tpu.memory_space<semaphore_mem>>)
      %dma_wait3A = arith.constant 0 : i32
      %dma_wait3A_63 = tpu.memref_slice %arg3[%dma_wait3A, %mul3A_32] : memref<256x512xf32, #tpu.memory_space<hbm>> -> memref<256x128xf32, #tpu.memory_space<hbm>>
      %dma_wait3A_64 = arith.constant 0 : i32
      %dma_wait3A_65 = tpu.memref_slice %arg3[%dma_wait3A_64, %mul3A_32] : memref<256x512xf32, #tpu.memory_space<hbm>> -> memref<256x128xf32, #tpu.memory_space<hbm>>
      tpu.wait_dma2 semaphore(%run_scoped3A : memref<!tpu.dma_semaphore, #tpu.memory_space<semaphore_mem>>) src(%dma_wait3A_65 : memref<256x128xf32, #tpu.memory_space<hbm>>) dst(%arg11 : memref<256x128xf32, #tpu.memory_space<vmem>>)
      tpu.yield
    }) : () -> ()
    "tpu.region"() ({
      %run_scoped3A = tpu.sem_alloc : memref<!tpu.dma_semaphore, #tpu.memory_space<semaphore_mem>>
      %dma_start3A_59 = tpu.memref_slice %arg5[%add3A_36] : memref<16384xi32, #tpu.memory_space<hbm>> -> memref<512xi32, #tpu.memory_space<hbm>>
      %dma_start3A_60 = tpu.memref_slice %arg5[%add3A_36] : memref<16384xi32, #tpu.memory_space<hbm>> -> memref<512xi32, #tpu.memory_space<hbm>>
      tpu.enqueue_dma source(%dma_start3A_60 : memref<512xi32, #tpu.memory_space<hbm>>) target(%arg16 : memref<512xi32, #tpu.memory_space<vmem>>) target_semaphore(%run_scoped3A : memref<!tpu.dma_semaphore, #tpu.memory_space<semaphore_mem>>)
      %dma_wait3A = tpu.memref_slice %arg5[%add3A_36] : memref<16384xi32, #tpu.memory_space<hbm>> -> memref<512xi32, #tpu.memory_space<hbm>>
      %dma_wait3A_61 = tpu.memref_slice %arg5[%add3A_36] : memref<16384xi32, #tpu.memory_space<hbm>> -> memref<512xi32, #tpu.memory_space<hbm>>
      tpu.wait_dma2 semaphore(%run_scoped3A : memref<!tpu.dma_semaphore, #tpu.memory_space<semaphore_mem>>) src(%dma_wait3A_61 : memref<512xi32, #tpu.memory_space<hbm>>) dst(%arg16 : memref<512xi32, #tpu.memory_space<vmem>>)
      tpu.yield
    }) : () -> ()
    "tpu.region"() ({
      %run_scoped3A = tpu.sem_alloc : memref<!tpu.dma_semaphore, #tpu.memory_space<semaphore_mem>>
      %dma_start3A_59 = tpu.memref_slice %arg6[%add3A_36] : memref<16384xi32, #tpu.memory_space<hbm>> -> memref<512xi32, #tpu.memory_space<hbm>>
      %dma_start3A_60 = tpu.memref_slice %arg6[%add3A_36] : memref<16384xi32, #tpu.memory_space<hbm>> -> memref<512xi32, #tpu.memory_space<hbm>>
      tpu.enqueue_dma source(%dma_start3A_60 : memref<512xi32, #tpu.memory_space<hbm>>) target(%arg17 : memref<512xi32, #tpu.memory_space<vmem>>) target_semaphore(%run_scoped3A : memref<!tpu.dma_semaphore, #tpu.memory_space<semaphore_mem>>)
      %dma_wait3A = tpu.memref_slice %arg6[%add3A_36] : memref<16384xi32, #tpu.memory_space<hbm>> -> memref<512xi32, #tpu.memory_space<hbm>>
      %dma_wait3A_61 = tpu.memref_slice %arg6[%add3A_36] : memref<16384xi32, #tpu.memory_space<hbm>> -> memref<512xi32, #tpu.memory_space<hbm>>
      tpu.wait_dma2 semaphore(%run_scoped3A : memref<!tpu.dma_semaphore, #tpu.memory_space<semaphore_mem>>) src(%dma_wait3A_61 : memref<512xi32, #tpu.memory_space<hbm>>) dst(%arg17 : memref<512xi32, #tpu.memory_space<vmem>>)
      tpu.yield
    }) : () -> ()
    "tpu.region"() ({
      %run_scoped3A = tpu.sem_alloc : memref<!tpu.dma_semaphore, #tpu.memory_space<semaphore_mem>>
      tpu.enqueue_dma source(%arg7 : memref<16xf32, #tpu.memory_space<hbm>>) target(%arg20 : memref<16xf32, #tpu.memory_space<vmem>>) target_semaphore(%run_scoped3A : memref<!tpu.dma_semaphore, #tpu.memory_space<semaphore_mem>>)
      tpu.wait_dma2 semaphore(%run_scoped3A : memref<!tpu.dma_semaphore, #tpu.memory_space<semaphore_mem>>) src(%arg7 : memref<16xf32, #tpu.memory_space<hbm>>) dst(%arg20 : memref<16xf32, #tpu.memory_space<vmem>>)
      tpu.yield
    }) : () -> ()
    %eq3A_37 = arith.constant 0 : i32
    %eq3A_38 = arith.cmpi eq, %arg1, %eq3A_37 : i32
    %convert_element_type3A = arith.extui %eq3A_38 : i1 to i32
    %cond3A = arith.constant 0 : i32
    %cond3A_39 = arith.cmpi ne, %convert_element_type3A, %cond3A : i32
    scf.if %cond3A_39 {
      "tpu.region"() ({
        %run_scoped3A = tpu.sem_alloc : memref<!tpu.dma_semaphore, #tpu.memory_space<semaphore_mem>>
        tpu.enqueue_dma source(%arg8 : memref<65536xf32, #tpu.memory_space<hbm>>) target(%arg21 : memref<65536xf32, #tpu.memory_space<vmem_shared>>) target_semaphore(%run_scoped3A : memref<!tpu.dma_semaphore, #tpu.memory_space<semaphore_mem>>)
        tpu.wait_dma2 semaphore(%run_scoped3A : memref<!tpu.dma_semaphore, #tpu.memory_space<semaphore_mem>>) src(%arg8 : memref<65536xf32, #tpu.memory_space<hbm>>) dst(%arg21 : memref<65536xf32, #tpu.memory_space<vmem_shared>>)
        tpu.yield
      }) : () -> ()
    } else {
    }
    %barrier3A = arith.constant 0 : index
    tpu.barrier barrier_id(%barrier3A)
    %iota3A = tpu.iota {dimensions = array<i32: 0>} : vector<16xi32>
    %get3A = arith.constant 0 : index
    %get3A_40 = tpu.vector_load %arg20[%get3A] {strides = array<i32>} : memref<16xf32, #tpu.memory_space<vmem>>, vector<16xf32>,
    %eq3A_41 = arith.constant 0 : i32
    %eq3A_42 = arith.cmpi eq, %select_n3A_30, %eq3A_41 : i32
    %broadcast_in_dim3A = arith.constant 0.000000e+00 : f32
    %broadcast_in_dim3A_43 = vector.broadcast %broadcast_in_dim3A : f32 to vector<16xf32>
    %select_n3A_44 = arith.select %eq3A_42, %get3A_40, %broadcast_in_dim3A_43 : vector<16xf32>
    %add3A_45 = arith.constant 0 : i32
    %add3A_46 = arith.addi %add3A_36, %add3A_45 : i32
    %dma_start3A = tpu.memref_slice %arg4[%add3A_46, %mul3A_32] : memref<16384x512xf32, #tpu.memory_space<hbm>> -> memref<128x128xf32, #tpu.memory_space<hbm>>
    %dma_start3A_47 = tpu.memref_slice %arg4[%add3A_46, %mul3A_32] : memref<16384x512xf32, #tpu.memory_space<hbm>> -> memref<128x128xf32, #tpu.memory_space<hbm>>
    tpu.enqueue_dma source(%dma_start3A_47 : memref<128x128xf32, #tpu.memory_space<hbm>>) target(%arg12 : memref<128x128xf32, #tpu.memory_space<vmem>>) target_semaphore(%arg14 : memref<!tpu.dma_semaphore, #tpu.memory_space<semaphore_mem>>)
    %scan3A = arith.constant 0 : i32
    %scan3A_48 = arith.constant 0 : i32
    %scan3A_49 = arith.constant 2 : i32
    %scan3A_50 = arith.addi %scan3A_48, %scan3A_49 : i32
    %scan3A_51 = arith.constant 1 : i32
    scf.for %scan3A_59 = %scan3A_48 to %scan3A_50 step %scan3A_51  : i32 {
      %mul3A_60 = arith.constant 2 : i32
      %mul3A_61 = arith.muli %scan3A_59, %mul3A_60 : i32
      %add3A_62 = arith.constant 1 : i32
      %add3A_63 = arith.addi %mul3A_61, %add3A_62 : i32
      %mul3A_64 = arith.constant 128 : i32
      %mul3A_65 = arith.muli %add3A_63, %mul3A_64 : i32
      %add3A_66 = arith.addi %add3A_36, %mul3A_65 : i32
      %dma_start3A_67 = tpu.memref_slice %arg4[%add3A_66, %mul3A_32] : memref<16384x512xf32, #tpu.memory_space<hbm>> -> memref<128x128xf32, #tpu.memory_space<hbm>>
      %dma_start3A_68 = tpu.memref_slice %arg4[%add3A_66, %mul3A_32] : memref<16384x512xf32, #tpu.memory_space<hbm>> -> memref<128x128xf32, #tpu.memory_space<hbm>>
      tpu.enqueue_dma source(%dma_start3A_68 : memref<128x128xf32, #tpu.memory_space<hbm>>) target(%arg13 : memref<128x128xf32, #tpu.memory_space<vmem>>) target_semaphore(%arg15 : memref<!tpu.dma_semaphore, #tpu.memory_space<semaphore_mem>>)
      %dma_wait3A = tpu.memref_slice %arg4[%add3A_36, %mul3A_32] : memref<16384x512xf32, #tpu.memory_space<hbm>> -> memref<128x128xf32, #tpu.memory_space<hbm>>
      %dma_wait3A_69 = tpu.memref_slice %arg4[%add3A_36, %mul3A_32] : memref<16384x512xf32, #tpu.memory_space<hbm>> -> memref<128x128xf32, #tpu.memory_space<hbm>>
      tpu.wait_dma2 semaphore(%arg14 : memref<!tpu.dma_semaphore, #tpu.memory_space<semaphore_mem>>) src(%dma_wait3A_69 : memref<128x128xf32, #tpu.memory_space<hbm>>) dst(%arg12 : memref<128x128xf32, #tpu.memory_space<vmem>>)
      %scan3A_70 = arith.constant 0 : i32
      %scan3A_71 = arith.constant 0 : i32
      %scan3A_72 = arith.constant 8 : i32
      %scan3A_73 = arith.addi %scan3A_71, %scan3A_72 : i32
      %scan3A_74 = arith.constant 1 : i32
      scf.for %scan3A_91 = %scan3A_71 to %scan3A_73 step %scan3A_74  : i32 {
        %mul3A_92 = arith.constant 128 : i32
        %mul3A_93 = arith.muli %mul3A_61, %mul3A_92 : i32
        %mul3A_94 = arith.constant 16 : i32
        %mul3A_95 = arith.muli %scan3A_91, %mul3A_94 : i32
        %add3A_96 = arith.addi %mul3A_93, %mul3A_95 : i32
        %get3A_97 = arith.index_cast %add3A_96 : i32 to index
        %get3A_98 = tpu.vector_load %arg16[%get3A_97] {strides = array<i32>} : memref<512xi32, #tpu.memory_space<vmem>>, vector<16xi32>,
        %get3A_99 = arith.index_cast %add3A_96 : i32 to index
        %get3A_100 = tpu.vector_load %arg17[%get3A_99] {strides = array<i32>} : memref<512xi32, #tpu.memory_space<vmem>>, vector<16xi32>,
        %mul3A_101 = arith.constant 16 : i32
        %mul3A_102 = arith.muli %scan3A_91, %mul3A_101 : i32
        %add3A_103 = vector.broadcast %mul3A_102 : i32 to vector<16xi32>
        %add3A_104 = arith.addi %iota3A, %add3A_103 : vector<16xi32>
        %scan3A_105 = arith.constant 0 : i32
        %scan3A_106 = arith.constant 16 : i32
        %scan3A_107 = arith.addi %scan3A_105, %scan3A_106 : i32
        %scan3A_108 = arith.constant 1 : i32
        %scan3A_109 = scf.for %scan3A_118 = %scan3A_105 to %scan3A_107 step %scan3A_108 iter_args(%scan3A_119 = %select_n3A_44) -> (vector<16xf32>)  : i32 {
          %mul3A_120 = arith.constant 8 : i32
          %mul3A_121 = arith.muli %scan3A_118, %mul3A_120 : i32
          %add3A_122 = arith.constant 0 : i32
          %add3A_123 = arith.addi %mul3A_121, %add3A_122 : i32
          %broadcast_in_dim3A_124 = vector.broadcast %add3A_123 : i32 to vector<16xi32>
          %add3A_125 = arith.addi %broadcast_in_dim3A_124, %iota3A : vector<16xi32>
          %and3A_126 = arith.constant 127 : i32
          %and3A_127 = vector.broadcast %and3A_126 : i32 to vector<16xi32>
          %and3A_128 = arith.andi %add3A_125, %and3A_127 : vector<16xi32>
          %gather3A = tpu.vector_load_idx %arg10[%get3A_98, %and3A_128] : memref<256x128xf32, #tpu.memory_space<vmem>>[vector<16xi32>, vector<16xi32>], vector<16xf32>,
          %gather3A_129 = tpu.vector_load_idx %arg11[%get3A_100, %and3A_128] : memref<256x128xf32, #tpu.memory_space<vmem>>[vector<16xi32>, vector<16xi32>], vector<16xf32>,
          %gather3A_130 = tpu.vector_load_idx %arg12[%add3A_104, %and3A_128] : memref<128x128xf32, #tpu.memory_space<vmem>>[vector<16xi32>, vector<16xi32>], vector<16xf32>,
          %mul3A_131 = arith.mulf %gather3A, %gather3A_129 : vector<16xf32>
          %mul3A_132 = arith.mulf %mul3A_131, %gather3A_130 : vector<16xf32>
          %mul3A_133 = arith.constant 8 : i32
          %mul3A_134 = arith.muli %scan3A_118, %mul3A_133 : i32
          %add3A_135 = arith.constant 1 : i32
          %add3A_136 = arith.addi %mul3A_134, %add3A_135 : i32
          %broadcast_in_dim3A_137 = vector.broadcast %add3A_136 : i32 to vector<16xi32>
          %add3A_138 = arith.addi %broadcast_in_dim3A_137, %iota3A : vector<16xi32>
          %and3A_139 = arith.constant 127 : i32
          %and3A_140 = vector.broadcast %and3A_139 : i32 to vector<16xi32>
          %and3A_141 = arith.andi %add3A_138, %and3A_140 : vector<16xi32>
          %gather3A_142 = tpu.vector_load_idx %arg10[%get3A_98, %and3A_141] : memref<256x128xf32, #tpu.memory_space<vmem>>[vector<16xi32>, vector<16xi32>], vector<16xf32>,
          %gather3A_143 = tpu.vector_load_idx %arg11[%get3A_100, %and3A_141] : memref<256x128xf32, #tpu.memory_space<vmem>>[vector<16xi32>, vector<16xi32>], vector<16xf32>,
          %gather3A_144 = tpu.vector_load_idx %arg12[%add3A_104, %and3A_141] : memref<128x128xf32, #tpu.memory_space<vmem>>[vector<16xi32>, vector<16xi32>], vector<16xf32>,
          %mul3A_145 = arith.mulf %gather3A_142, %gather3A_143 : vector<16xf32>
          %mul3A_146 = arith.mulf %mul3A_145, %gather3A_144 : vector<16xf32>
          %mul3A_147 = arith.constant 8 : i32
          %mul3A_148 = arith.muli %scan3A_118, %mul3A_147 : i32
          %add3A_149 = arith.constant 2 : i32
          %add3A_150 = arith.addi %mul3A_148, %add3A_149 : i32
          %broadcast_in_dim3A_151 = vector.broadcast %add3A_150 : i32 to vector<16xi32>
          %add3A_152 = arith.addi %broadcast_in_dim3A_151, %iota3A : vector<16xi32>
          %and3A_153 = arith.constant 127 : i32
          %and3A_154 = vector.broadcast %and3A_153 : i32 to vector<16xi32>
          %and3A_155 = arith.andi %add3A_152, %and3A_154 : vector<16xi32>
          %gather3A_156 = tpu.vector_load_idx %arg10[%get3A_98, %and3A_155] : memref<256x128xf32, #tpu.memory_space<vmem>>[vector<16xi32>, vector<16xi32>], vector<16xf32>,
          %gather3A_157 = tpu.vector_load_idx %arg11[%get3A_100, %and3A_155] : memref<256x128xf32, #tpu.memory_space<vmem>>[vector<16xi32>, vector<16xi32>], vector<16xf32>,
          %gather3A_158 = tpu.vector_load_idx %arg12[%add3A_104, %and3A_155] : memref<128x128xf32, #tpu.memory_space<vmem>>[vector<16xi32>, vector<16xi32>], vector<16xf32>,
          %mul3A_159 = arith.mulf %gather3A_156, %gather3A_157 : vector<16xf32>
          %mul3A_160 = arith.mulf %mul3A_159, %gather3A_158 : vector<16xf32>
          %mul3A_161 = arith.constant 8 : i32
          %mul3A_162 = arith.muli %scan3A_118, %mul3A_161 : i32
          %add3A_163 = arith.constant 3 : i32
          %add3A_164 = arith.addi %mul3A_162, %add3A_163 : i32
          %broadcast_in_dim3A_165 = vector.broadcast %add3A_164 : i32 to vector<16xi32>
          %add3A_166 = arith.addi %broadcast_in_dim3A_165, %iota3A : vector<16xi32>
          %and3A_167 = arith.constant 127 : i32
          %and3A_168 = vector.broadcast %and3A_167 : i32 to vector<16xi32>
          %and3A_169 = arith.andi %add3A_166, %and3A_168 : vector<16xi32>
          %gather3A_170 = tpu.vector_load_idx %arg10[%get3A_98, %and3A_169] : memref<256x128xf32, #tpu.memory_space<vmem>>[vector<16xi32>, vector<16xi32>], vector<16xf32>,
          %gather3A_171 = tpu.vector_load_idx %arg11[%get3A_100, %and3A_169] : memref<256x128xf32, #tpu.memory_space<vmem>>[vector<16xi32>, vector<16xi32>], vector<16xf32>,
          %gather3A_172 = tpu.vector_load_idx %arg12[%add3A_104, %and3A_169] : memref<128x128xf32, #tpu.memory_space<vmem>>[vector<16xi32>, vector<16xi32>], vector<16xf32>,
          %mul3A_173 = arith.mulf %gather3A_170, %gather3A_171 : vector<16xf32>
          %mul3A_174 = arith.mulf %mul3A_173, %gather3A_172 : vector<16xf32>
          %mul3A_175 = arith.constant 8 : i32
          %mul3A_176 = arith.muli %scan3A_118, %mul3A_175 : i32
          %add3A_177 = arith.constant 4 : i32
          %add3A_178 = arith.addi %mul3A_176, %add3A_177 : i32
          %broadcast_in_dim3A_179 = vector.broadcast %add3A_178 : i32 to vector<16xi32>
          %add3A_180 = arith.addi %broadcast_in_dim3A_179, %iota3A : vector<16xi32>
          %and3A_181 = arith.constant 127 : i32
          %and3A_182 = vector.broadcast %and3A_181 : i32 to vector<16xi32>
          %and3A_183 = arith.andi %add3A_180, %and3A_182 : vector<16xi32>
          %gather3A_184 = tpu.vector_load_idx %arg10[%get3A_98, %and3A_183] : memref<256x128xf32, #tpu.memory_space<vmem>>[vector<16xi32>, vector<16xi32>], vector<16xf32>,
          %gather3A_185 = tpu.vector_load_idx %arg11[%get3A_100, %and3A_183] : memref<256x128xf32, #tpu.memory_space<vmem>>[vector<16xi32>, vector<16xi32>], vector<16xf32>,
          %gather3A_186 = tpu.vector_load_idx %arg12[%add3A_104, %and3A_183] : memref<128x128xf32, #tpu.memory_space<vmem>>[vector<16xi32>, vector<16xi32>], vector<16xf32>,
          %mul3A_187 = arith.mulf %gather3A_184, %gather3A_185 : vector<16xf32>
          %mul3A_188 = arith.mulf %mul3A_187, %gather3A_186 : vector<16xf32>
          %mul3A_189 = arith.constant 8 : i32
          %mul3A_190 = arith.muli %scan3A_118, %mul3A_189 : i32
          %add3A_191 = arith.constant 5 : i32
          %add3A_192 = arith.addi %mul3A_190, %add3A_191 : i32
          %broadcast_in_dim3A_193 = vector.broadcast %add3A_192 : i32 to vector<16xi32>
          %add3A_194 = arith.addi %broadcast_in_dim3A_193, %iota3A : vector<16xi32>
          %and3A_195 = arith.constant 127 : i32
          %and3A_196 = vector.broadcast %and3A_195 : i32 to vector<16xi32>
          %and3A_197 = arith.andi %add3A_194, %and3A_196 : vector<16xi32>
          %gather3A_198 = tpu.vector_load_idx %arg10[%get3A_98, %and3A_197] : memref<256x128xf32, #tpu.memory_space<vmem>>[vector<16xi32>, vector<16xi32>], vector<16xf32>,
          %gather3A_199 = tpu.vector_load_idx %arg11[%get3A_100, %and3A_197] : memref<256x128xf32, #tpu.memory_space<vmem>>[vector<16xi32>, vector<16xi32>], vector<16xf32>,
          %gather3A_200 = tpu.vector_load_idx %arg12[%add3A_104, %and3A_197] : memref<128x128xf32, #tpu.memory_space<vmem>>[vector<16xi32>, vector<16xi32>], vector<16xf32>,
          %mul3A_201 = arith.mulf %gather3A_198, %gather3A_199 : vector<16xf32>
          %mul3A_202 = arith.mulf %mul3A_201, %gather3A_200 : vector<16xf32>
          %mul3A_203 = arith.constant 8 : i32
          %mul3A_204 = arith.muli %scan3A_118, %mul3A_203 : i32
          %add3A_205 = arith.constant 6 : i32
          %add3A_206 = arith.addi %mul3A_204, %add3A_205 : i32
          %broadcast_in_dim3A_207 = vector.broadcast %add3A_206 : i32 to vector<16xi32>
          %add3A_208 = arith.addi %broadcast_in_dim3A_207, %iota3A : vector<16xi32>
          %and3A_209 = arith.constant 127 : i32
          %and3A_210 = vector.broadcast %and3A_209 : i32 to vector<16xi32>
          %and3A_211 = arith.andi %add3A_208, %and3A_210 : vector<16xi32>
          %gather3A_212 = tpu.vector_load_idx %arg10[%get3A_98, %and3A_211] : memref<256x128xf32, #tpu.memory_space<vmem>>[vector<16xi32>, vector<16xi32>], vector<16xf32>,
          %gather3A_213 = tpu.vector_load_idx %arg11[%get3A_100, %and3A_211] : memref<256x128xf32, #tpu.memory_space<vmem>>[vector<16xi32>, vector<16xi32>], vector<16xf32>,
          %gather3A_214 = tpu.vector_load_idx %arg12[%add3A_104, %and3A_211] : memref<128x128xf32, #tpu.memory_space<vmem>>[vector<16xi32>, vector<16xi32>], vector<16xf32>,
          %mul3A_215 = arith.mulf %gather3A_212, %gather3A_213 : vector<16xf32>
          %mul3A_216 = arith.mulf %mul3A_215, %gather3A_214 : vector<16xf32>
          %mul3A_217 = arith.constant 8 : i32
          %mul3A_218 = arith.muli %scan3A_118, %mul3A_217 : i32
          %add3A_219 = arith.constant 7 : i32
          %add3A_220 = arith.addi %mul3A_218, %add3A_219 : i32
          %broadcast_in_dim3A_221 = vector.broadcast %add3A_220 : i32 to vector<16xi32>
          %add3A_222 = arith.addi %broadcast_in_dim3A_221, %iota3A : vector<16xi32>
          %and3A_223 = arith.constant 127 : i32
          %and3A_224 = vector.broadcast %and3A_223 : i32 to vector<16xi32>
          %and3A_225 = arith.andi %add3A_222, %and3A_224 : vector<16xi32>
          %gather3A_226 = tpu.vector_load_idx %arg10[%get3A_98, %and3A_225] : memref<256x128xf32, #tpu.memory_space<vmem>>[vector<16xi32>, vector<16xi32>], vector<16xf32>,
          %gather3A_227 = tpu.vector_load_idx %arg11[%get3A_100, %and3A_225] : memref<256x128xf32, #tpu.memory_space<vmem>>[vector<16xi32>, vector<16xi32>], vector<16xf32>,
          %gather3A_228 = tpu.vector_load_idx %arg12[%add3A_104, %and3A_225] : memref<128x128xf32, #tpu.memory_space<vmem>>[vector<16xi32>, vector<16xi32>], vector<16xf32>,
          %mul3A_229 = arith.mulf %gather3A_226, %gather3A_227 : vector<16xf32>
          %mul3A_230 = arith.mulf %mul3A_229, %gather3A_228 : vector<16xf32>
          %add3A_231 = arith.addf %mul3A_132, %mul3A_146 : vector<16xf32>
          %add3A_232 = arith.addf %mul3A_160, %mul3A_174 : vector<16xf32>
          %add3A_233 = arith.addf %mul3A_188, %mul3A_202 : vector<16xf32>
          %add3A_234 = arith.addf %mul3A_216, %mul3A_230 : vector<16xf32>
          %add3A_235 = arith.addf %add3A_231, %add3A_232 : vector<16xf32>
          %add3A_236 = arith.addf %add3A_233, %add3A_234 : vector<16xf32>
          %add3A_237 = arith.addf %add3A_235, %add3A_236 : vector<16xf32>
          %add3A_238 = arith.addf %scan3A_119, %add3A_237 : vector<16xf32>
          scf.yield %add3A_238 : vector<16xf32>
        }
        %scan3A_110 = arith.constant 16 : i32
        %swap3A = arith.index_cast %add3A_96 : i32 to index
        %swap3A_111 = tpu.vector_load %arg19[%swap3A] {strides = array<i32>} : memref<512xf32, #tpu.memory_space<vmem>>, vector<16xf32>,
        tpu.vector_store %arg19[%swap3A], %scan3A_109 {strides = array<i32>} : memref<512xf32, #tpu.memory_space<vmem>>, vector<16xf32>,
        %mul3A_112 = arith.constant 256 : i32
        %mul3A_113 = vector.broadcast %mul3A_112 : i32 to vector<16xi32>
        %mul3A_114 = arith.muli %get3A_98, %mul3A_113 : vector<16xi32>
        %add3A_115 = arith.addi %mul3A_114, %get3A_100 : vector<16xi32>
        %swap3A_116 = arith.index_cast %add3A_96 : i32 to index
        %swap3A_117 = tpu.vector_load %arg18[%swap3A_116] {strides = array<i32>} : memref<512xi32, #tpu.memory_space<vmem>>, vector<16xi32>,
        tpu.vector_store %arg18[%swap3A_116], %add3A_115 {strides = array<i32>} : memref<512xi32, #tpu.memory_space<vmem>>, vector<16xi32>,
      }
      %scan3A_75 = arith.constant 8 : i32
      %lt3A_76 = arith.constant 1 : i32
      %lt3A_77 = arith.cmpi slt, %scan3A_59, %lt3A_76 : i32
      %convert_element_type3A_78 = arith.extui %lt3A_77 : i1 to i32
      %cond3A_79 = arith.constant 0 : i32
      %cond3A_80 = arith.cmpi ne, %convert_element_type3A_78, %cond3A_79 : i32
      scf.if %cond3A_80 {
        %add3A_91 = arith.constant 2 : i32
        %add3A_92 = arith.addi %mul3A_61, %add3A_91 : i32
        %mul3A_93 = arith.constant 128 : i32
        %mul3A_94 = arith.muli %add3A_92, %mul3A_93 : i32
        %add3A_95 = arith.addi %add3A_36, %mul3A_94 : i32
        %dma_start3A_96 = tpu.memref_slice %arg4[%add3A_95, %mul3A_32] : memref<16384x512xf32, #tpu.memory_space<hbm>> -> memref<128x128xf32, #tpu.memory_space<hbm>>
        %dma_start3A_97 = tpu.memref_slice %arg4[%add3A_95, %mul3A_32] : memref<16384x512xf32, #tpu.memory_space<hbm>> -> memref<128x128xf32, #tpu.memory_space<hbm>>
        tpu.enqueue_dma source(%dma_start3A_97 : memref<128x128xf32, #tpu.memory_space<hbm>>) target(%arg12 : memref<128x128xf32, #tpu.memory_space<vmem>>) target_semaphore(%arg14 : memref<!tpu.dma_semaphore, #tpu.memory_space<semaphore_mem>>)
      } else {
      }
      %dma_wait3A_81 = tpu.memref_slice %arg4[%add3A_36, %mul3A_32] : memref<16384x512xf32, #tpu.memory_space<hbm>> -> memref<128x128xf32, #tpu.memory_space<hbm>>
      %dma_wait3A_82 = tpu.memref_slice %arg4[%add3A_36, %mul3A_32] : memref<16384x512xf32, #tpu.memory_space<hbm>> -> memref<128x128xf32, #tpu.memory_space<hbm>>
      tpu.wait_dma2 semaphore(%arg15 : memref<!tpu.dma_semaphore, #tpu.memory_space<semaphore_mem>>) src(%dma_wait3A_82 : memref<128x128xf32, #tpu.memory_space<hbm>>) dst(%arg13 : memref<128x128xf32, #tpu.memory_space<vmem>>)
      %add3A_83 = arith.constant 1 : i32
      %add3A_84 = arith.addi %mul3A_61, %add3A_83 : i32
      %scan3A_85 = arith.constant 0 : i32
      %scan3A_86 = arith.constant 0 : i32
      %scan3A_87 = arith.constant 8 : i32
      %scan3A_88 = arith.addi %scan3A_86, %scan3A_87 : i32
      %scan3A_89 = arith.constant 1 : i32
      scf.for %scan3A_91 = %scan3A_86 to %scan3A_88 step %scan3A_89  : i32 {
        %mul3A_92 = arith.constant 128 : i32
        %mul3A_93 = arith.muli %add3A_84, %mul3A_92 : i32
        %mul3A_94 = arith.constant 16 : i32
        %mul3A_95 = arith.muli %scan3A_91, %mul3A_94 : i32
        %add3A_96 = arith.addi %mul3A_93, %mul3A_95 : i32
        %get3A_97 = arith.index_cast %add3A_96 : i32 to index
        %get3A_98 = tpu.vector_load %arg16[%get3A_97] {strides = array<i32>} : memref<512xi32, #tpu.memory_space<vmem>>, vector<16xi32>,
        %get3A_99 = arith.index_cast %add3A_96 : i32 to index
        %get3A_100 = tpu.vector_load %arg17[%get3A_99] {strides = array<i32>} : memref<512xi32, #tpu.memory_space<vmem>>, vector<16xi32>,
        %mul3A_101 = arith.constant 16 : i32
        %mul3A_102 = arith.muli %scan3A_91, %mul3A_101 : i32
        %add3A_103 = vector.broadcast %mul3A_102 : i32 to vector<16xi32>
        %add3A_104 = arith.addi %iota3A, %add3A_103 : vector<16xi32>
        %scan3A_105 = arith.constant 0 : i32
        %scan3A_106 = arith.constant 16 : i32
        %scan3A_107 = arith.addi %scan3A_105, %scan3A_106 : i32
        %scan3A_108 = arith.constant 1 : i32
        %scan3A_109 = scf.for %scan3A_118 = %scan3A_105 to %scan3A_107 step %scan3A_108 iter_args(%scan3A_119 = %select_n3A_44) -> (vector<16xf32>)  : i32 {
          %mul3A_120 = arith.constant 8 : i32
          %mul3A_121 = arith.muli %scan3A_118, %mul3A_120 : i32
          %add3A_122 = arith.constant 0 : i32
          %add3A_123 = arith.addi %mul3A_121, %add3A_122 : i32
          %broadcast_in_dim3A_124 = vector.broadcast %add3A_123 : i32 to vector<16xi32>
          %add3A_125 = arith.addi %broadcast_in_dim3A_124, %iota3A : vector<16xi32>
          %and3A_126 = arith.constant 127 : i32
          %and3A_127 = vector.broadcast %and3A_126 : i32 to vector<16xi32>
          %and3A_128 = arith.andi %add3A_125, %and3A_127 : vector<16xi32>
          %gather3A = tpu.vector_load_idx %arg10[%get3A_98, %and3A_128] : memref<256x128xf32, #tpu.memory_space<vmem>>[vector<16xi32>, vector<16xi32>], vector<16xf32>,
          %gather3A_129 = tpu.vector_load_idx %arg11[%get3A_100, %and3A_128] : memref<256x128xf32, #tpu.memory_space<vmem>>[vector<16xi32>, vector<16xi32>], vector<16xf32>,
          %gather3A_130 = tpu.vector_load_idx %arg13[%add3A_104, %and3A_128] : memref<128x128xf32, #tpu.memory_space<vmem>>[vector<16xi32>, vector<16xi32>], vector<16xf32>,
          %mul3A_131 = arith.mulf %gather3A, %gather3A_129 : vector<16xf32>
          %mul3A_132 = arith.mulf %mul3A_131, %gather3A_130 : vector<16xf32>
          %mul3A_133 = arith.constant 8 : i32
          %mul3A_134 = arith.muli %scan3A_118, %mul3A_133 : i32
          %add3A_135 = arith.constant 1 : i32
          %add3A_136 = arith.addi %mul3A_134, %add3A_135 : i32
          %broadcast_in_dim3A_137 = vector.broadcast %add3A_136 : i32 to vector<16xi32>
          %add3A_138 = arith.addi %broadcast_in_dim3A_137, %iota3A : vector<16xi32>
          %and3A_139 = arith.constant 127 : i32
          %and3A_140 = vector.broadcast %and3A_139 : i32 to vector<16xi32>
          %and3A_141 = arith.andi %add3A_138, %and3A_140 : vector<16xi32>
          %gather3A_142 = tpu.vector_load_idx %arg10[%get3A_98, %and3A_141] : memref<256x128xf32, #tpu.memory_space<vmem>>[vector<16xi32>, vector<16xi32>], vector<16xf32>,
          %gather3A_143 = tpu.vector_load_idx %arg11[%get3A_100, %and3A_141] : memref<256x128xf32, #tpu.memory_space<vmem>>[vector<16xi32>, vector<16xi32>], vector<16xf32>,
          %gather3A_144 = tpu.vector_load_idx %arg13[%add3A_104, %and3A_141] : memref<128x128xf32, #tpu.memory_space<vmem>>[vector<16xi32>, vector<16xi32>], vector<16xf32>,
          %mul3A_145 = arith.mulf %gather3A_142, %gather3A_143 : vector<16xf32>
          %mul3A_146 = arith.mulf %mul3A_145, %gather3A_144 : vector<16xf32>
          %mul3A_147 = arith.constant 8 : i32
          %mul3A_148 = arith.muli %scan3A_118, %mul3A_147 : i32
          %add3A_149 = arith.constant 2 : i32
          %add3A_150 = arith.addi %mul3A_148, %add3A_149 : i32
          %broadcast_in_dim3A_151 = vector.broadcast %add3A_150 : i32 to vector<16xi32>
          %add3A_152 = arith.addi %broadcast_in_dim3A_151, %iota3A : vector<16xi32>
          %and3A_153 = arith.constant 127 : i32
          %and3A_154 = vector.broadcast %and3A_153 : i32 to vector<16xi32>
          %and3A_155 = arith.andi %add3A_152, %and3A_154 : vector<16xi32>
          %gather3A_156 = tpu.vector_load_idx %arg10[%get3A_98, %and3A_155] : memref<256x128xf32, #tpu.memory_space<vmem>>[vector<16xi32>, vector<16xi32>], vector<16xf32>,
          %gather3A_157 = tpu.vector_load_idx %arg11[%get3A_100, %and3A_155] : memref<256x128xf32, #tpu.memory_space<vmem>>[vector<16xi32>, vector<16xi32>], vector<16xf32>,
          %gather3A_158 = tpu.vector_load_idx %arg13[%add3A_104, %and3A_155] : memref<128x128xf32, #tpu.memory_space<vmem>>[vector<16xi32>, vector<16xi32>], vector<16xf32>,
          %mul3A_159 = arith.mulf %gather3A_156, %gather3A_157 : vector<16xf32>
          %mul3A_160 = arith.mulf %mul3A_159, %gather3A_158 : vector<16xf32>
          %mul3A_161 = arith.constant 8 : i32
          %mul3A_162 = arith.muli %scan3A_118, %mul3A_161 : i32
          %add3A_163 = arith.constant 3 : i32
          %add3A_164 = arith.addi %mul3A_162, %add3A_163 : i32
          %broadcast_in_dim3A_165 = vector.broadcast %add3A_164 : i32 to vector<16xi32>
          %add3A_166 = arith.addi %broadcast_in_dim3A_165, %iota3A : vector<16xi32>
          %and3A_167 = arith.constant 127 : i32
          %and3A_168 = vector.broadcast %and3A_167 : i32 to vector<16xi32>
          %and3A_169 = arith.andi %add3A_166, %and3A_168 : vector<16xi32>
          %gather3A_170 = tpu.vector_load_idx %arg10[%get3A_98, %and3A_169] : memref<256x128xf32, #tpu.memory_space<vmem>>[vector<16xi32>, vector<16xi32>], vector<16xf32>,
          %gather3A_171 = tpu.vector_load_idx %arg11[%get3A_100, %and3A_169] : memref<256x128xf32, #tpu.memory_space<vmem>>[vector<16xi32>, vector<16xi32>], vector<16xf32>,
          %gather3A_172 = tpu.vector_load_idx %arg13[%add3A_104, %and3A_169] : memref<128x128xf32, #tpu.memory_space<vmem>>[vector<16xi32>, vector<16xi32>], vector<16xf32>,
          %mul3A_173 = arith.mulf %gather3A_170, %gather3A_171 : vector<16xf32>
          %mul3A_174 = arith.mulf %mul3A_173, %gather3A_172 : vector<16xf32>
          %mul3A_175 = arith.constant 8 : i32
          %mul3A_176 = arith.muli %scan3A_118, %mul3A_175 : i32
          %add3A_177 = arith.constant 4 : i32
          %add3A_178 = arith.addi %mul3A_176, %add3A_177 : i32
          %broadcast_in_dim3A_179 = vector.broadcast %add3A_178 : i32 to vector<16xi32>
          %add3A_180 = arith.addi %broadcast_in_dim3A_179, %iota3A : vector<16xi32>
          %and3A_181 = arith.constant 127 : i32
          %and3A_182 = vector.broadcast %and3A_181 : i32 to vector<16xi32>
          %and3A_183 = arith.andi %add3A_180, %and3A_182 : vector<16xi32>
          %gather3A_184 = tpu.vector_load_idx %arg10[%get3A_98, %and3A_183] : memref<256x128xf32, #tpu.memory_space<vmem>>[vector<16xi32>, vector<16xi32>], vector<16xf32>,
          %gather3A_185 = tpu.vector_load_idx %arg11[%get3A_100, %and3A_183] : memref<256x128xf32, #tpu.memory_space<vmem>>[vector<16xi32>, vector<16xi32>], vector<16xf32>,
          %gather3A_186 = tpu.vector_load_idx %arg13[%add3A_104, %and3A_183] : memref<128x128xf32, #tpu.memory_space<vmem>>[vector<16xi32>, vector<16xi32>], vector<16xf32>,
          %mul3A_187 = arith.mulf %gather3A_184, %gather3A_185 : vector<16xf32>
          %mul3A_188 = arith.mulf %mul3A_187, %gather3A_186 : vector<16xf32>
          %mul3A_189 = arith.constant 8 : i32
          %mul3A_190 = arith.muli %scan3A_118, %mul3A_189 : i32
          %add3A_191 = arith.constant 5 : i32
          %add3A_192 = arith.addi %mul3A_190, %add3A_191 : i32
          %broadcast_in_dim3A_193 = vector.broadcast %add3A_192 : i32 to vector<16xi32>
          %add3A_194 = arith.addi %broadcast_in_dim3A_193, %iota3A : vector<16xi32>
          %and3A_195 = arith.constant 127 : i32
          %and3A_196 = vector.broadcast %and3A_195 : i32 to vector<16xi32>
          %and3A_197 = arith.andi %add3A_194, %and3A_196 : vector<16xi32>
          %gather3A_198 = tpu.vector_load_idx %arg10[%get3A_98, %and3A_197] : memref<256x128xf32, #tpu.memory_space<vmem>>[vector<16xi32>, vector<16xi32>], vector<16xf32>,
          %gather3A_199 = tpu.vector_load_idx %arg11[%get3A_100, %and3A_197] : memref<256x128xf32, #tpu.memory_space<vmem>>[vector<16xi32>, vector<16xi32>], vector<16xf32>,
          %gather3A_200 = tpu.vector_load_idx %arg13[%add3A_104, %and3A_197] : memref<128x128xf32, #tpu.memory_space<vmem>>[vector<16xi32>, vector<16xi32>], vector<16xf32>,
          %mul3A_201 = arith.mulf %gather3A_198, %gather3A_199 : vector<16xf32>
          %mul3A_202 = arith.mulf %mul3A_201, %gather3A_200 : vector<16xf32>
          %mul3A_203 = arith.constant 8 : i32
          %mul3A_204 = arith.muli %scan3A_118, %mul3A_203 : i32
          %add3A_205 = arith.constant 6 : i32
          %add3A_206 = arith.addi %mul3A_204, %add3A_205 : i32
          %broadcast_in_dim3A_207 = vector.broadcast %add3A_206 : i32 to vector<16xi32>
          %add3A_208 = arith.addi %broadcast_in_dim3A_207, %iota3A : vector<16xi32>
          %and3A_209 = arith.constant 127 : i32
          %and3A_210 = vector.broadcast %and3A_209 : i32 to vector<16xi32>
          %and3A_211 = arith.andi %add3A_208, %and3A_210 : vector<16xi32>
          %gather3A_212 = tpu.vector_load_idx %arg10[%get3A_98, %and3A_211] : memref<256x128xf32, #tpu.memory_space<vmem>>[vector<16xi32>, vector<16xi32>], vector<16xf32>,
          %gather3A_213 = tpu.vector_load_idx %arg11[%get3A_100, %and3A_211] : memref<256x128xf32, #tpu.memory_space<vmem>>[vector<16xi32>, vector<16xi32>], vector<16xf32>,
          %gather3A_214 = tpu.vector_load_idx %arg13[%add3A_104, %and3A_211] : memref<128x128xf32, #tpu.memory_space<vmem>>[vector<16xi32>, vector<16xi32>], vector<16xf32>,
          %mul3A_215 = arith.mulf %gather3A_212, %gather3A_213 : vector<16xf32>
          %mul3A_216 = arith.mulf %mul3A_215, %gather3A_214 : vector<16xf32>
          %mul3A_217 = arith.constant 8 : i32
          %mul3A_218 = arith.muli %scan3A_118, %mul3A_217 : i32
          %add3A_219 = arith.constant 7 : i32
          %add3A_220 = arith.addi %mul3A_218, %add3A_219 : i32
          %broadcast_in_dim3A_221 = vector.broadcast %add3A_220 : i32 to vector<16xi32>
          %add3A_222 = arith.addi %broadcast_in_dim3A_221, %iota3A : vector<16xi32>
          %and3A_223 = arith.constant 127 : i32
          %and3A_224 = vector.broadcast %and3A_223 : i32 to vector<16xi32>
          %and3A_225 = arith.andi %add3A_222, %and3A_224 : vector<16xi32>
          %gather3A_226 = tpu.vector_load_idx %arg10[%get3A_98, %and3A_225] : memref<256x128xf32, #tpu.memory_space<vmem>>[vector<16xi32>, vector<16xi32>], vector<16xf32>,
          %gather3A_227 = tpu.vector_load_idx %arg11[%get3A_100, %and3A_225] : memref<256x128xf32, #tpu.memory_space<vmem>>[vector<16xi32>, vector<16xi32>], vector<16xf32>,
          %gather3A_228 = tpu.vector_load_idx %arg13[%add3A_104, %and3A_225] : memref<128x128xf32, #tpu.memory_space<vmem>>[vector<16xi32>, vector<16xi32>], vector<16xf32>,
          %mul3A_229 = arith.mulf %gather3A_226, %gather3A_227 : vector<16xf32>
          %mul3A_230 = arith.mulf %mul3A_229, %gather3A_228 : vector<16xf32>
          %add3A_231 = arith.addf %mul3A_132, %mul3A_146 : vector<16xf32>
          %add3A_232 = arith.addf %mul3A_160, %mul3A_174 : vector<16xf32>
          %add3A_233 = arith.addf %mul3A_188, %mul3A_202 : vector<16xf32>
          %add3A_234 = arith.addf %mul3A_216, %mul3A_230 : vector<16xf32>
          %add3A_235 = arith.addf %add3A_231, %add3A_232 : vector<16xf32>
          %add3A_236 = arith.addf %add3A_233, %add3A_234 : vector<16xf32>
          %add3A_237 = arith.addf %add3A_235, %add3A_236 : vector<16xf32>
          %add3A_238 = arith.addf %scan3A_119, %add3A_237 : vector<16xf32>
          scf.yield %add3A_238 : vector<16xf32>
        }
        %scan3A_110 = arith.constant 16 : i32
        %swap3A = arith.index_cast %add3A_96 : i32 to index
        %swap3A_111 = tpu.vector_load %arg19[%swap3A] {strides = array<i32>} : memref<512xf32, #tpu.memory_space<vmem>>, vector<16xf32>,
        tpu.vector_store %arg19[%swap3A], %scan3A_109 {strides = array<i32>} : memref<512xf32, #tpu.memory_space<vmem>>, vector<16xf32>,
        %mul3A_112 = arith.constant 256 : i32
        %mul3A_113 = vector.broadcast %mul3A_112 : i32 to vector<16xi32>
        %mul3A_114 = arith.muli %get3A_98, %mul3A_113 : vector<16xi32>
        %add3A_115 = arith.addi %mul3A_114, %get3A_100 : vector<16xi32>
        %swap3A_116 = arith.index_cast %add3A_96 : i32 to index
        %swap3A_117 = tpu.vector_load %arg18[%swap3A_116] {strides = array<i32>} : memref<512xi32, #tpu.memory_space<vmem>>, vector<16xi32>,
        tpu.vector_store %arg18[%swap3A_116], %add3A_115 {strides = array<i32>} : memref<512xi32, #tpu.memory_space<vmem>>, vector<16xi32>,
      }
      %scan3A_90 = arith.constant 8 : i32
    }
    %scan3A_52 = arith.constant 2 : i32
    "tpu.region"() ({
      %run_scoped3A = tpu.sem_alloc : memref<!tpu.dma_semaphore, #tpu.memory_space<semaphore_mem>>
      %dma_start3A_59 = arith.constant 0 : i32
      %dma_start3A_60 = tpu.memref_slice %arg21[%dma_start3A_59] : memref<65536xf32, #tpu.memory_space<vmem_shared>> -> memref<65536xf32, #tpu.memory_space<vmem_shared>>
      tpu.enqueue_indirect_dma source(%arg19 : memref<512xf32, #tpu.memory_space<vmem>>) target(%dma_start3A_60 : memref<65536xf32, #tpu.memory_space<vmem_shared>>) offsets(%arg18 : memref<512xi32, #tpu.memory_space<vmem>>) semaphore(%run_scoped3A : memref<!tpu.dma_semaphore, #tpu.memory_space<semaphore_mem>>) {add = true}
      %dma_wait3A = arith.constant 0 : i32
      %dma_wait3A_61 = tpu.memref_slice %arg21[%dma_wait3A] : memref<65536xf32, #tpu.memory_space<vmem_shared>> -> memref<65536xf32, #tpu.memory_space<vmem_shared>>
      tpu.wait_indirect_dma semaphore(%run_scoped3A : memref<!tpu.dma_semaphore, #tpu.memory_space<semaphore_mem>>) src(%arg19 : memref<512xf32, #tpu.memory_space<vmem>>) dst(%dma_wait3A_61 : memref<65536xf32, #tpu.memory_space<vmem_shared>>)
      tpu.yield
    }) : () -> ()
    %barrier3A_53 = arith.constant 0 : index
    tpu.barrier barrier_id(%barrier3A_53)
    %eq3A_54 = arith.constant 0 : i32
    %eq3A_55 = arith.cmpi eq, %arg1, %eq3A_54 : i32
    %convert_element_type3A_56 = arith.extui %eq3A_55 : i1 to i32
    %cond3A_57 = arith.constant 0 : i32
    %cond3A_58 = arith.cmpi ne, %convert_element_type3A_56, %cond3A_57 : i32
    scf.if %cond3A_58 {
      "tpu.region"() ({
        %run_scoped3A = tpu.sem_alloc : memref<!tpu.dma_semaphore, #tpu.memory_space<semaphore_mem>>
        %dma_start3A_59 = arith.constant 0 : i32
        %dma_start3A_60 = tpu.memref_slice %arg9[%arg0, %dma_start3A_59] : memref<2x65536xf32, #tpu.memory_space<hbm>> -> memref<1x65536xf32, #tpu.memory_space<hbm>>
        %dma_start3A_61 = tpu.memref_squeeze %dma_start3A_60 : memref<1x65536xf32, #tpu.memory_space<hbm>> -> memref<65536xf32, #tpu.memory_space<hbm>>
        tpu.enqueue_dma source(%arg21 : memref<65536xf32, #tpu.memory_space<vmem_shared>>) target(%dma_start3A_61 : memref<65536xf32, #tpu.memory_space<hbm>>) target_semaphore(%run_scoped3A : memref<!tpu.dma_semaphore, #tpu.memory_space<semaphore_mem>>)
        %dma_wait3A = arith.constant 0 : i32
        %dma_wait3A_62 = tpu.memref_slice %arg9[%arg0, %dma_wait3A] : memref<2x65536xf32, #tpu.memory_space<hbm>> -> memref<1x65536xf32, #tpu.memory_space<hbm>>
        %dma_wait3A_63 = tpu.memref_squeeze %dma_wait3A_62 : memref<1x65536xf32, #tpu.memory_space<hbm>> -> memref<65536xf32, #tpu.memory_space<hbm>>
        tpu.wait_dma2 semaphore(%run_scoped3A : memref<!tpu.dma_semaphore, #tpu.memory_space<semaphore_mem>>) src(%arg21 : memref<65536xf32, #tpu.memory_space<vmem_shared>>) dst(%dma_wait3A_63 : memref<65536xf32, #tpu.memory_space<hbm>>)
        tpu.yield
      }) : () -> ()
    } else {
    }
    return
  }
}

module attributes {stable_mosaic.version = 14 : i64} {
  func.func @_prep_body(%arg0: i32, %arg1: memref<256x512xf32, #tpu.memory_space<vmem>>, %arg2: memref<512x512xf32, #tpu.memory_space<vmem>>, %arg3: memref<1x512xf32, #tpu.memory_space<vmem>>, %arg4: memref<512x512xf32, #tpu.memory_space<vmem>>, %arg5: memref<1x512xf32, #tpu.memory_space<vmem>>, %arg6: memref<1x512xf32, #tpu.memory_space<vmem>>, %arg7: memref<512x512xf32, #tpu.memory_space<vmem>>, %arg8: memref<1x512xf32, #tpu.memory_space<vmem>>, %arg9: memref<1x512xf32, #tpu.memory_space<vmem>>, %arg10: memref<1x512xf32, #tpu.memory_space<vmem>>, %arg11: memref<256x512xf32, #tpu.memory_space<vmem>>, %arg12: memref<256x512xf32, #tpu.memory_space<vmem>>, %arg13: memref<256x512xbf16, #tpu.memory_space<vmem>>, %arg14: memref<256x512xbf16, #tpu.memory_space<vmem>>, %arg15: memref<256x512xf32, #tpu.memory_space<vmem>>, %arg16: memref<256x256xf32, #tpu.memory_space<vmem>>) attributes {dimension_semantics = [#tpu.dimension_semantics<arbitrary>], iteration_bounds = array<i64: 1>, scalar_prefetch = 0 : i64, scratch_operands = 0 : i64, tpu.core_type = #tpu.core_type<tc>, window_params = [{pipeline_mode = #tpu.pipeline_mode<synchronous>, transform_indices = @transform_0, window_bounds = array<i64: 256, 512>}, {pipeline_mode = #tpu.pipeline_mode<synchronous>, transform_indices = @transform_1, window_bounds = array<i64: 512, 512>}, {pipeline_mode = #tpu.pipeline_mode<synchronous>, transform_indices = @transform_2, window_bounds = array<i64: 1, 512>}, {pipeline_mode = #tpu.pipeline_mode<synchronous>, transform_indices = @transform_3, window_bounds = array<i64: 512, 512>}, {pipeline_mode = #tpu.pipeline_mode<synchronous>, transform_indices = @transform_4, window_bounds = array<i64: 1, 512>}, {pipeline_mode = #tpu.pipeline_mode<synchronous>, transform_indices = @transform_5, window_bounds = array<i64: 1, 512>}, {pipeline_mode = #tpu.pipeline_mode<synchronous>, transform_indices = @transform_6, window_bounds = array<i64: 512, 512>}, {pipeline_mode = #tpu.pipeline_mode<synchronous>, transform_indices = @transform_7, window_bounds = array<i64: 1, 512>}, {pipeline_mode = #tpu.pipeline_mode<synchronous>, transform_indices = @transform_8, window_bounds = array<i64: 1, 512>}, {pipeline_mode = #tpu.pipeline_mode<synchronous>, transform_indices = @transform_9, window_bounds = array<i64: 1, 512>}, {pipeline_mode = #tpu.pipeline_mode<synchronous>, transform_indices = @transform_10, window_bounds = array<i64: 256, 512>}, {pipeline_mode = #tpu.pipeline_mode<synchronous>, transform_indices = @transform_11, window_bounds = array<i64: 256, 512>}, {pipeline_mode = #tpu.pipeline_mode<synchronous>, transform_indices = @transform_12, window_bounds = array<i64: 256, 512>}, {pipeline_mode = #tpu.pipeline_mode<synchronous>, transform_indices = @transform_13, window_bounds = array<i64: 256, 512>}, {pipeline_mode = #tpu.pipeline_mode<synchronous>, transform_indices = @transform_14, window_bounds = array<i64: 256, 512>}, {pipeline_mode = #tpu.pipeline_mode<synchronous>, transform_indices = @transform_15, window_bounds = array<i64: 256, 256>}]} {
    %get3A = arith.constant 0 : index
    %get3A_0 = arith.constant 0 : index
    %get3A_1 = vector.load %arg1[%get3A, %get3A_0] : memref<256x512xf32, #tpu.memory_space<vmem>>, vector<256x512xf32>
    %get3A_2 = arith.constant 0 : index
    %get3A_3 = arith.constant 0 : index
    %get3A_4 = vector.load %arg2[%get3A_2, %get3A_3] : memref<512x512xf32, #tpu.memory_space<vmem>>, vector<512x512xf32>
    %dot_general3A = arith.constant dense<0.000000e+00> : vector<256x512xf32>
    %dot_general3A_5 = tpu.matmul %get3A_1, %get3A_4, %dot_general3A {dimension_numbers = #tpu.dot_dimension_numbers<[1], [0], [0], [1], [0, 0, 1, 1], [], []>, transpose_lhs_hint = false} : vector<256x512xf32>, vector<512x512xf32>, vector<256x512xf32> -> vector<256x512xf32>
    %get3A_6 = arith.constant 0 : index
    %get3A_7 = arith.constant 0 : index
    %get3A_8 = vector.load %arg3[%get3A_6, %get3A_7] : memref<1x512xf32, #tpu.memory_space<vmem>>, vector<1x512xf32>
    %add3A = vector.broadcast %get3A_8 : vector<1x512xf32> to vector<256x512xf32>
    %add3A_9 = arith.addf %dot_general3A_5, %add3A : vector<256x512xf32>
    %get3A_10 = arith.constant 0 : index
    %get3A_11 = arith.constant 0 : index
    %get3A_12 = vector.load %arg6[%get3A_10, %get3A_11] : memref<1x512xf32, #tpu.memory_space<vmem>>, vector<1x512xf32>
    %mul3A = vector.broadcast %get3A_12 : vector<1x512xf32> to vector<256x512xf32>
    %mul3A_13 = arith.mulf %add3A_9, %mul3A : vector<256x512xf32>
    %get3A_14 = arith.constant 0 : index
    %get3A_15 = arith.constant 0 : index
    %get3A_16 = vector.load %arg4[%get3A_14, %get3A_15] : memref<512x512xf32, #tpu.memory_space<vmem>>, vector<512x512xf32>
    %dot_general3A_17 = arith.constant dense<0.000000e+00> : vector<256x512xf32>
    %dot_general3A_18 = tpu.matmul %get3A_1, %get3A_16, %dot_general3A_17 {dimension_numbers = #tpu.dot_dimension_numbers<[1], [0], [0], [1], [0, 0, 1, 1], [], []>, transpose_lhs_hint = false} : vector<256x512xf32>, vector<512x512xf32>, vector<256x512xf32> -> vector<256x512xf32>
    %get3A_19 = arith.constant 0 : index
    %get3A_20 = arith.constant 0 : index
    %get3A_21 = vector.load %arg5[%get3A_19, %get3A_20] : memref<1x512xf32, #tpu.memory_space<vmem>>, vector<1x512xf32>
    %add3A_22 = vector.broadcast %get3A_21 : vector<1x512xf32> to vector<256x512xf32>
    %add3A_23 = arith.addf %dot_general3A_18, %add3A_22 : vector<256x512xf32>
    %swap3A = arith.constant 0 : index
    %swap3A_24 = arith.constant 0 : index
    %swap3A_25 = vector.load %arg11[%swap3A, %swap3A_24] : memref<256x512xf32, #tpu.memory_space<vmem>>, vector<256x512xf32>
    tpu.vector_store %arg11[%swap3A, %swap3A_24], %mul3A_13 {strides = array<i32>} : memref<256x512xf32, #tpu.memory_space<vmem>>, vector<256x512xf32>,
    %swap3A_26 = arith.constant 0 : index
    %swap3A_27 = arith.constant 0 : index
    %swap3A_28 = vector.load %arg12[%swap3A_26, %swap3A_27] : memref<256x512xf32, #tpu.memory_space<vmem>>, vector<256x512xf32>
    tpu.vector_store %arg12[%swap3A_26, %swap3A_27], %add3A_23 {strides = array<i32>} : memref<256x512xf32, #tpu.memory_space<vmem>>, vector<256x512xf32>,
    %convert_element_type3A = arith.truncf %mul3A_13 : vector<256x512xf32> to vector<256x512xbf16>
    %swap3A_29 = arith.constant 0 : index
    %swap3A_30 = arith.constant 0 : index
    %swap3A_31 = vector.load %arg13[%swap3A_29, %swap3A_30] : memref<256x512xbf16, #tpu.memory_space<vmem>>, vector<256x512xbf16>
    tpu.vector_store %arg13[%swap3A_29, %swap3A_30], %convert_element_type3A {strides = array<i32>} : memref<256x512xbf16, #tpu.memory_space<vmem>>, vector<256x512xbf16>,
    %convert_element_type3A_32 = arith.truncf %add3A_23 : vector<256x512xf32> to vector<256x512xbf16>
    %swap3A_33 = arith.constant 0 : index
    %swap3A_34 = arith.constant 0 : index
    %swap3A_35 = vector.load %arg14[%swap3A_33, %swap3A_34] : memref<256x512xbf16, #tpu.memory_space<vmem>>, vector<256x512xbf16>
    tpu.vector_store %arg14[%swap3A_33, %swap3A_34], %convert_element_type3A_32 {strides = array<i32>} : memref<256x512xbf16, #tpu.memory_space<vmem>>, vector<256x512xbf16>,
    %convert_element_type3A_36 = arith.truncf %get3A_1 : vector<256x512xf32> to vector<256x512xbf16>
    %convert_element_type3A_37 = arith.extf %convert_element_type3A_36 : vector<256x512xbf16> to vector<256x512xf32>
    %sub3A = arith.subf %get3A_1, %convert_element_type3A_37 : vector<256x512xf32>
    %convert_element_type3A_38 = arith.truncf %sub3A : vector<256x512xf32> to vector<256x512xbf16>
    %dot_general3A_39 = arith.constant dense<0.000000e+00> : vector<256x256xf32>
    %dot_general3A_40 = tpu.matmul %convert_element_type3A_36, %convert_element_type3A_36, %dot_general3A_39 {dimension_numbers = #tpu.dot_dimension_numbers<[1], [1], [0], [0], [0, 0, 1, 0], [], []>, transpose_lhs_hint = false} : vector<256x512xbf16>, vector<256x512xbf16>, vector<256x256xf32> -> vector<256x256xf32>
    %dot_general3A_41 = arith.constant dense<0.000000e+00> : vector<256x256xf32>
    %dot_general3A_42 = tpu.matmul %convert_element_type3A_36, %convert_element_type3A_38, %dot_general3A_41 {dimension_numbers = #tpu.dot_dimension_numbers<[1], [1], [0], [0], [0, 0, 1, 0], [], []>, transpose_lhs_hint = false} : vector<256x512xbf16>, vector<256x512xbf16>, vector<256x256xf32> -> vector<256x256xf32>
    %add3A_43 = arith.addf %dot_general3A_40, %dot_general3A_42 : vector<256x256xf32>
    %dot_general3A_44 = arith.constant dense<0.000000e+00> : vector<256x256xf32>
    %dot_general3A_45 = tpu.matmul %convert_element_type3A_38, %convert_element_type3A_36, %dot_general3A_44 {dimension_numbers = #tpu.dot_dimension_numbers<[1], [1], [0], [0], [0, 0, 1, 0], [], []>, transpose_lhs_hint = false} : vector<256x512xbf16>, vector<256x512xbf16>, vector<256x256xf32> -> vector<256x256xf32>
    %add3A_46 = arith.addf %add3A_43, %dot_general3A_45 : vector<256x256xf32>
    %iota3A = tpu.iota {dimensions = array<i32: 0>} : vector<256x256xi32>
    %iota3A_47 = tpu.iota {dimensions = array<i32: 1>} : vector<256x256xi32>
    %eq3A = arith.cmpi eq, %iota3A, %iota3A_47 : vector<256x256xi32>
    %convert_element_type3A_48 = arith.extui %eq3A : vector<256x256xi1> to vector<256x256xi32>
    %convert_element_type3A_49 = arith.sitofp %convert_element_type3A_48 : vector<256x256xi32> to vector<256x256xf32>
    %mul3A_50 = arith.mulf %add3A_46, %convert_element_type3A_49 : vector<256x256xf32>
    %reduce_sum3A = arith.constant dense<0.000000e+00> : vector<256xf32>
    %reduce_sum3A_51 = vector.multi_reduction <add>, %mul3A_50, %reduce_sum3A [1] : vector<256x256xf32> to vector<256xf32>
    %broadcast_in_dim3A = vector.shape_cast %reduce_sum3A_51 : vector<256xf32> to vector<256x1xf32>
    %mul3A_52 = arith.mulf %add3A_46, %convert_element_type3A_49 : vector<256x256xf32>
    %reduce_sum3A_53 = arith.constant dense<0.000000e+00> : vector<256xf32>
    %reduce_sum3A_54 = vector.multi_reduction <add>, %mul3A_52, %reduce_sum3A_53 [0] : vector<256x256xf32> to vector<256xf32>
    %broadcast_in_dim3A_55 = vector.shape_cast %reduce_sum3A_54 : vector<256xf32> to vector<1x256xf32>
    %add3A_56 = vector.broadcast %broadcast_in_dim3A : vector<256x1xf32> to vector<256x256xf32>
    %add3A_57 = vector.broadcast %broadcast_in_dim3A_55 : vector<1x256xf32> to vector<256x256xf32>
    %add3A_58 = arith.addf %add3A_56, %add3A_57 : vector<256x256xf32>
    %mul3A_59 = arith.constant 2.000000e+00 : f32
    %mul3A_60 = vector.broadcast %mul3A_59 : f32 to vector<256x256xf32>
    %mul3A_61 = arith.mulf %mul3A_60, %add3A_46 : vector<256x256xf32>
    %sub3A_62 = arith.subf %add3A_58, %mul3A_61 : vector<256x256xf32>
    %max3A = arith.constant 0.000000e+00 : f32
    %max3A_63 = vector.broadcast %max3A : f32 to vector<256x256xf32>
    %max3A_64 = arith.maximumf %sub3A_62, %max3A_63 : vector<256x256xf32>
    %lt3A = arith.constant 2.500000e-01 : f32
    %lt3A_65 = vector.broadcast %lt3A : f32 to vector<256x256xf32>
    %lt3A_66 = arith.cmpf olt, %max3A_64, %lt3A_65 : vector<256x256xf32>
    %jit3A = arith.constant 4.000000e+00 : f32
    %jit3A_67 = arith.constant 0.000000e+00 : f32
    %broadcast_in_dim3A_68 = vector.broadcast %jit3A : f32 to vector<256x256xf32>
    %broadcast_in_dim3A_69 = vector.broadcast %jit3A_67 : f32 to vector<256x256xf32>
    %select_n3A = arith.select %lt3A_66, %broadcast_in_dim3A_68, %broadcast_in_dim3A_69 : vector<256x256xi1>, vector<256x256xf32>
    %ge3A = arith.constant 2.500000e-01 : f32
    %ge3A_70 = vector.broadcast %ge3A : f32 to vector<256x256xf32>
    %ge3A_71 = arith.cmpf oge, %max3A_64, %ge3A_70 : vector<256x256xf32>
    %lt3A_72 = arith.constant 1.000000e+00 : f32
    %lt3A_73 = vector.broadcast %lt3A_72 : f32 to vector<256x256xf32>
    %lt3A_74 = arith.cmpf olt, %max3A_64, %lt3A_73 : vector<256x256xf32>
    %and3A = arith.andi %ge3A_71, %lt3A_74 : vector<256x256xi1>
    %max3A_75 = arith.constant 1.000000e-10 : f32
    %max3A_76 = vector.broadcast %max3A_75 : f32 to vector<256x256xf32>
    %max3A_77 = arith.maximumf %max3A_64, %max3A_76 : vector<256x256xf32>
    %div3A = arith.constant 1.000000e+00 : f32
    %div3A_78 = vector.broadcast %div3A : f32 to vector<256x256xf32>
    %div3A_79 = arith.divf %div3A_78, %max3A_77 : vector<256x256xf32>
    %select_n3A_80 = arith.select %and3A, %div3A_79, %select_n3A : vector<256x256xi1>, vector<256x256xf32>
    %eq3A_81 = arith.cmpi eq, %iota3A, %iota3A_47 : vector<256x256xi32>
    %jit3A_82 = arith.constant 0.000000e+00 : f32
    %broadcast_in_dim3A_83 = vector.broadcast %jit3A_82 : f32 to vector<256x256xf32>
    %select_n3A_84 = arith.select %eq3A_81, %broadcast_in_dim3A_83, %select_n3A_80 : vector<256x256xi1>, vector<256x256xf32>
    %swap3A_85 = arith.constant 0 : index
    %swap3A_86 = arith.constant 0 : index
    %swap3A_87 = vector.load %arg16[%swap3A_85, %swap3A_86] : memref<256x256xf32, #tpu.memory_space<vmem>>, vector<256x256xf32>
    tpu.vector_store %arg16[%swap3A_85, %swap3A_86], %select_n3A_84 {strides = array<i32>} : memref<256x256xf32, #tpu.memory_space<vmem>>, vector<256x256xf32>,
    %reduce_sum3A_88 = arith.constant dense<0.000000e+00> : vector<256xf32>
    %reduce_sum3A_89 = vector.multi_reduction <add>, %get3A_1, %reduce_sum3A_88 [1] : vector<256x512xf32> to vector<256xf32>
    %broadcast_in_dim3A_90 = vector.shape_cast %reduce_sum3A_89 : vector<256xf32> to vector<256x1xf32>
    %div3A_91 = arith.constant 5.120000e+02 : f32
    %div3A_92 = vector.broadcast %div3A_91 : f32 to vector<256x1xf32>
    %div3A_93 = arith.divf %broadcast_in_dim3A_90, %div3A_92 : vector<256x1xf32>
    %sub3A_94 = vector.broadcast %div3A_93 : vector<256x1xf32> to vector<256x512xf32>
    %sub3A_95 = arith.subf %get3A_1, %sub3A_94 : vector<256x512xf32>
    %mul3A_96 = arith.mulf %sub3A_95, %sub3A_95 : vector<256x512xf32>
    %reduce_sum3A_97 = arith.constant dense<0.000000e+00> : vector<256xf32>
    %reduce_sum3A_98 = vector.multi_reduction <add>, %mul3A_96, %reduce_sum3A_97 [1] : vector<256x512xf32> to vector<256xf32>
    %broadcast_in_dim3A_99 = vector.shape_cast %reduce_sum3A_98 : vector<256xf32> to vector<256x1xf32>
    %div3A_100 = arith.constant 5.120000e+02 : f32
    %div3A_101 = vector.broadcast %div3A_100 : f32 to vector<256x1xf32>
    %div3A_102 = arith.divf %broadcast_in_dim3A_99, %div3A_101 : vector<256x1xf32>
    %add3A_103 = arith.constant 9.99999974E-6 : f32
    %add3A_104 = vector.broadcast %add3A_103 : f32 to vector<256x1xf32>
    %add3A_105 = arith.addf %div3A_102, %add3A_104 : vector<256x1xf32>
    %sqrt3A = math.sqrt %add3A_105 : vector<256x1xf32>
    %div3A_106 = vector.broadcast %sqrt3A : vector<256x1xf32> to vector<256x512xf32>
    %div3A_107 = arith.divf %sub3A_95, %div3A_106 : vector<256x512xf32>
    %get3A_108 = arith.constant 0 : index
    %get3A_109 = arith.constant 0 : index
    %get3A_110 = vector.load %arg9[%get3A_108, %get3A_109] : memref<1x512xf32, #tpu.memory_space<vmem>>, vector<1x512xf32>
    %mul3A_111 = vector.broadcast %get3A_110 : vector<1x512xf32> to vector<256x512xf32>
    %mul3A_112 = arith.mulf %div3A_107, %mul3A_111 : vector<256x512xf32>
    %get3A_113 = arith.constant 0 : index
    %get3A_114 = arith.constant 0 : index
    %get3A_115 = vector.load %arg10[%get3A_113, %get3A_114] : memref<1x512xf32, #tpu.memory_space<vmem>>, vector<1x512xf32>
    %add3A_116 = vector.broadcast %get3A_115 : vector<1x512xf32> to vector<256x512xf32>
    %add3A_117 = arith.addf %mul3A_112, %add3A_116 : vector<256x512xf32>
    %get3A_118 = arith.constant 0 : index
    %get3A_119 = arith.constant 0 : index
    %get3A_120 = vector.load %arg7[%get3A_118, %get3A_119] : memref<512x512xf32, #tpu.memory_space<vmem>>, vector<512x512xf32>
    %convert_element_type3A_121 = arith.truncf %add3A_117 : vector<256x512xf32> to vector<256x512xbf16>
    %convert_element_type3A_122 = arith.extf %convert_element_type3A_121 : vector<256x512xbf16> to vector<256x512xf32>
    %sub3A_123 = arith.subf %add3A_117, %convert_element_type3A_122 : vector<256x512xf32>
    %convert_element_type3A_124 = arith.truncf %sub3A_123 : vector<256x512xf32> to vector<256x512xbf16>
    %convert_element_type3A_125 = arith.truncf %get3A_120 : vector<512x512xf32> to vector<512x512xbf16>
    %convert_element_type3A_126 = arith.extf %convert_element_type3A_125 : vector<512x512xbf16> to vector<512x512xf32>
    %sub3A_127 = arith.subf %get3A_120, %convert_element_type3A_126 : vector<512x512xf32>
    %convert_element_type3A_128 = arith.truncf %sub3A_127 : vector<512x512xf32> to vector<512x512xbf16>
    %dot_general3A_129 = arith.constant dense<0.000000e+00> : vector<256x512xf32>
    %dot_general3A_130 = tpu.matmul %convert_element_type3A_121, %convert_element_type3A_125, %dot_general3A_129 {dimension_numbers = #tpu.dot_dimension_numbers<[1], [0], [0], [1], [0, 0, 1, 1], [], []>, transpose_lhs_hint = false} : vector<256x512xbf16>, vector<512x512xbf16>, vector<256x512xf32> -> vector<256x512xf32>
    %dot_general3A_131 = arith.constant dense<0.000000e+00> : vector<256x512xf32>
    %dot_general3A_132 = tpu.matmul %convert_element_type3A_121, %convert_element_type3A_128, %dot_general3A_131 {dimension_numbers = #tpu.dot_dimension_numbers<[1], [0], [0], [1], [0, 0, 1, 1], [], []>, transpose_lhs_hint = false} : vector<256x512xbf16>, vector<512x512xbf16>, vector<256x512xf32> -> vector<256x512xf32>
    %add3A_133 = arith.addf %dot_general3A_130, %dot_general3A_132 : vector<256x512xf32>
    %dot_general3A_134 = arith.constant dense<0.000000e+00> : vector<256x512xf32>
    %dot_general3A_135 = tpu.matmul %convert_element_type3A_124, %convert_element_type3A_125, %dot_general3A_134 {dimension_numbers = #tpu.dot_dimension_numbers<[1], [0], [0], [1], [0, 0, 1, 1], [], []>, transpose_lhs_hint = false} : vector<256x512xbf16>, vector<512x512xbf16>, vector<256x512xf32> -> vector<256x512xf32>
    %add3A_136 = arith.addf %add3A_133, %dot_general3A_135 : vector<256x512xf32>
    %get3A_137 = arith.constant 0 : index
    %get3A_138 = arith.constant 0 : index
    %get3A_139 = vector.load %arg8[%get3A_137, %get3A_138] : memref<1x512xf32, #tpu.memory_space<vmem>>, vector<1x512xf32>
    %add3A_140 = vector.broadcast %get3A_139 : vector<1x512xf32> to vector<256x512xf32>
    %add3A_141 = arith.addf %add3A_136, %add3A_140 : vector<256x512xf32>
    %max3A_142 = arith.constant 0.000000e+00 : f32
    %max3A_143 = vector.broadcast %max3A_142 : f32 to vector<256x512xf32>
    %max3A_144 = arith.maximumf %add3A_141, %max3A_143 : vector<256x512xf32>
    %swap3A_145 = arith.constant 0 : index
    %swap3A_146 = arith.constant 0 : index
    %swap3A_147 = vector.load %arg15[%swap3A_145, %swap3A_146] : memref<256x512xf32, #tpu.memory_space<vmem>>, vector<256x512xf32>
    tpu.vector_store %arg15[%swap3A_145, %swap3A_146], %max3A_144 {strides = array<i32>} : memref<256x512xf32, #tpu.memory_space<vmem>>, vector<256x512xf32>,
    return
  }
  func.func @transform_0(%arg0: i32) -> (i32, i32) {
    %c0_i32 = arith.constant 0 : i32
    %c0_i32_0 = arith.constant 0 : i32
    %c0_i32_1 = arith.constant 0 : i32
    return %c0_i32, %c0_i32_0 : i32, i32
  }
  func.func @transform_1(%arg0: i32) -> (i32, i32) {
    %c0_i32 = arith.constant 0 : i32
    %c0_i32_0 = arith.constant 0 : i32
    %c0_i32_1 = arith.constant 0 : i32
    return %c0_i32, %c0_i32_0 : i32, i32
  }
  func.func @transform_2(%arg0: i32) -> (i32, i32) {
    %c0_i32 = arith.constant 0 : i32
    %c0_i32_0 = arith.constant 0 : i32
    %c0_i32_1 = arith.constant 0 : i32
    return %c0_i32, %c0_i32_0 : i32, i32
  }
  func.func @transform_3(%arg0: i32) -> (i32, i32) {
    %c0_i32 = arith.constant 0 : i32
    %c0_i32_0 = arith.constant 0 : i32
    %c0_i32_1 = arith.constant 0 : i32
    return %c0_i32, %c0_i32_0 : i32, i32
  }
  func.func @transform_4(%arg0: i32) -> (i32, i32) {
    %c0_i32 = arith.constant 0 : i32
    %c0_i32_0 = arith.constant 0 : i32
    %c0_i32_1 = arith.constant 0 : i32
    return %c0_i32, %c0_i32_0 : i32, i32
  }
  func.func @transform_5(%arg0: i32) -> (i32, i32) {
    %c0_i32 = arith.constant 0 : i32
    %c0_i32_0 = arith.constant 0 : i32
    %c0_i32_1 = arith.constant 0 : i32
    return %c0_i32, %c0_i32_0 : i32, i32
  }
  func.func @transform_6(%arg0: i32) -> (i32, i32) {
    %c0_i32 = arith.constant 0 : i32
    %c0_i32_0 = arith.constant 0 : i32
    %c0_i32_1 = arith.constant 0 : i32
    return %c0_i32, %c0_i32_0 : i32, i32
  }
  func.func @transform_7(%arg0: i32) -> (i32, i32) {
    %c0_i32 = arith.constant 0 : i32
    %c0_i32_0 = arith.constant 0 : i32
    %c0_i32_1 = arith.constant 0 : i32
    return %c0_i32, %c0_i32_0 : i32, i32
  }
  func.func @transform_8(%arg0: i32) -> (i32, i32) {
    %c0_i32 = arith.constant 0 : i32
    %c0_i32_0 = arith.constant 0 : i32
    %c0_i32_1 = arith.constant 0 : i32
    return %c0_i32, %c0_i32_0 : i32, i32
  }
  func.func @transform_9(%arg0: i32) -> (i32, i32) {
    %c0_i32 = arith.constant 0 : i32
    %c0_i32_0 = arith.constant 0 : i32
    %c0_i32_1 = arith.constant 0 : i32
    return %c0_i32, %c0_i32_0 : i32, i32
  }
  func.func @transform_10(%arg0: i32) -> (i32, i32) {
    %c0_i32 = arith.constant 0 : i32
    %c0_i32_0 = arith.constant 0 : i32
    %c0_i32_1 = arith.constant 0 : i32
    return %c0_i32, %c0_i32_0 : i32, i32
  }
  func.func @transform_11(%arg0: i32) -> (i32, i32) {
    %c0_i32 = arith.constant 0 : i32
    %c0_i32_0 = arith.constant 0 : i32
    %c0_i32_1 = arith.constant 0 : i32
    return %c0_i32, %c0_i32_0 : i32, i32
  }
  func.func @transform_12(%arg0: i32) -> (i32, i32) {
    %c0_i32 = arith.constant 0 : i32
    %c0_i32_0 = arith.constant 0 : i32
    %c0_i32_1 = arith.constant 0 : i32
    return %c0_i32, %c0_i32_0 : i32, i32
  }
  func.func @transform_13(%arg0: i32) -> (i32, i32) {
    %c0_i32 = arith.constant 0 : i32
    %c0_i32_0 = arith.constant 0 : i32
    %c0_i32_1 = arith.constant 0 : i32
    return %c0_i32, %c0_i32_0 : i32, i32
  }
  func.func @transform_14(%arg0: i32) -> (i32, i32) {
    %c0_i32 = arith.constant 0 : i32
    %c0_i32_0 = arith.constant 0 : i32
    %c0_i32_1 = arith.constant 0 : i32
    return %c0_i32, %c0_i32_0 : i32, i32
  }
  func.func @transform_15(%arg0: i32) -> (i32, i32) {
    %c0_i32 = arith.constant 0 : i32
    %c0_i32_0 = arith.constant 0 : i32
    %c0_i32_1 = arith.constant 0 : i32
    return %c0_i32, %c0_i32_0 : i32, i32
  }
}

module attributes {stable_mosaic.version = 14 : i64} {
  func.func @_tc_edge_body(%arg0: i32, %arg1: memref<1x1x2048xi32, #tpu.memory_space<vmem>>, %arg2: memref<1x1x2048xi32, #tpu.memory_space<vmem>>, %arg3: memref<2048x512xf32, #tpu.memory_space<vmem>>, %arg4: memref<256x512xbf16, #tpu.memory_space<vmem>>, %arg5: memref<256x512xbf16, #tpu.memory_space<vmem>>, %arg6: memref<1x1xf32, #tpu.memory_space<smem>>, %arg7: memref<256x256xf32, #tpu.memory_space<vmem>>) attributes {dimension_semantics = [#tpu.dimension_semantics<arbitrary>], iteration_bounds = array<i64: 6>, scalar_prefetch = 0 : i64, scratch_operands = 0 : i64, tpu.core_type = #tpu.core_type<tc>, window_params = [{transform_indices = @transform_0, window_bounds = array<i64: 1, 1, 2048>}, {transform_indices = @transform_1, window_bounds = array<i64: 1, 1, 2048>}, {transform_indices = @transform_2, window_bounds = array<i64: 2048, 512>}, {pipeline_mode = #tpu.pipeline_mode<synchronous>, transform_indices = @transform_3, window_bounds = array<i64: 256, 512>}, {pipeline_mode = #tpu.pipeline_mode<synchronous>, transform_indices = @transform_4, window_bounds = array<i64: 256, 512>}, {transform_indices = @transform_5, window_bounds = array<i64: 1, 1>}, {pipeline_mode = #tpu.pipeline_mode<synchronous>, transform_indices = @transform_6, window_bounds = array<i64: 256, 256>}]} {
    %get3A = arith.constant 0 : index
    %get3A_0 = arith.constant 0 : index
    %get3A_1 = arith.constant 0 : index
    %get3A_2 = vector.load %arg1[%get3A, %get3A_0, %get3A_1] : memref<1x1x2048xi32, #tpu.memory_space<vmem>>, vector<1x1x2048xi32>
    %get3A_3 = vector.shape_cast %get3A_2 : vector<1x1x2048xi32> to vector<2048xi32>
    %get3A_4 = arith.constant 0 : index
    %get3A_5 = arith.constant 0 : index
    %get3A_6 = arith.constant 0 : index
    %get3A_7 = vector.load %arg2[%get3A_4, %get3A_5, %get3A_6] : memref<1x1x2048xi32, #tpu.memory_space<vmem>>, vector<1x1x2048xi32>
    %get3A_8 = vector.shape_cast %get3A_7 : vector<1x1x2048xi32> to vector<2048xi32>
    %iota3A = tpu.iota {dimensions = array<i32: 1>} : vector<2048x256xi32>
    %broadcast_in_dim3A = vector.shape_cast %get3A_3 : vector<2048xi32> to vector<2048x1xi32>
    %eq3A = vector.broadcast %broadcast_in_dim3A : vector<2048x1xi32> to vector<2048x256xi32>
    %eq3A_9 = arith.cmpi eq, %eq3A, %iota3A : vector<2048x256xi32>
    %convert_element_type3A = arith.extui %eq3A_9 : vector<2048x256xi1> to vector<2048x256xi32>
    %convert_element_type3A_10 = arith.sitofp %convert_element_type3A : vector<2048x256xi32> to vector<2048x256xf32>
    %convert_element_type3A_11 = arith.truncf %convert_element_type3A_10 : vector<2048x256xf32> to vector<2048x256xbf16>
    %broadcast_in_dim3A_12 = vector.shape_cast %get3A_8 : vector<2048xi32> to vector<2048x1xi32>
    %eq3A_13 = vector.broadcast %broadcast_in_dim3A_12 : vector<2048x1xi32> to vector<2048x256xi32>
    %eq3A_14 = arith.cmpi eq, %eq3A_13, %iota3A : vector<2048x256xi32>
    %convert_element_type3A_15 = arith.extui %eq3A_14 : vector<2048x256xi1> to vector<2048x256xi32>
    %convert_element_type3A_16 = arith.sitofp %convert_element_type3A_15 : vector<2048x256xi32> to vector<2048x256xf32>
    %convert_element_type3A_17 = arith.truncf %convert_element_type3A_16 : vector<2048x256xf32> to vector<2048x256xbf16>
    %get3A_18 = arith.constant 0 : index
    %get3A_19 = arith.constant 0 : index
    %get3A_20 = vector.load %arg4[%get3A_18, %get3A_19] : memref<256x512xbf16, #tpu.memory_space<vmem>>, vector<256x512xbf16>
    %dot_general3A = arith.constant dense<0.000000e+00> : vector<2048x512xf32>
    %dot_general3A_21 = tpu.matmul %convert_element_type3A_11, %get3A_20, %dot_general3A {dimension_numbers = #tpu.dot_dimension_numbers<[1], [0], [0], [1], [0, 0, 1, 1], [], []>, transpose_lhs_hint = false} : vector<2048x256xbf16>, vector<256x512xbf16>, vector<2048x512xf32> -> vector<2048x512xf32>
    %get3A_22 = arith.constant 0 : index
    %get3A_23 = arith.constant 0 : index
    %get3A_24 = vector.load %arg5[%get3A_22, %get3A_23] : memref<256x512xbf16, #tpu.memory_space<vmem>>, vector<256x512xbf16>
    %dot_general3A_25 = arith.constant dense<0.000000e+00> : vector<2048x512xf32>
    %dot_general3A_26 = tpu.matmul %convert_element_type3A_17, %get3A_24, %dot_general3A_25 {dimension_numbers = #tpu.dot_dimension_numbers<[1], [0], [0], [1], [0, 0, 1, 1], [], []>, transpose_lhs_hint = false} : vector<2048x256xbf16>, vector<256x512xbf16>, vector<2048x512xf32> -> vector<2048x512xf32>
    %mul3A = arith.mulf %dot_general3A_21, %dot_general3A_26 : vector<2048x512xf32>
    %get3A_27 = arith.constant 0 : index
    %get3A_28 = arith.constant 0 : index
    %get3A_29 = vector.load %arg3[%get3A_27, %get3A_28] : memref<2048x512xf32, #tpu.memory_space<vmem>>, vector<2048x512xf32>
    %mul3A_30 = arith.mulf %mul3A, %get3A_29 : vector<2048x512xf32>
    %reduce_sum3A = arith.constant dense<0.000000e+00> : vector<2048xf32>
    %reduce_sum3A_31 = vector.multi_reduction <add>, %mul3A_30, %reduce_sum3A [1] : vector<2048x512xf32> to vector<2048xf32>
    %get3A_32 = arith.constant 0 : index
    %get3A_33 = arith.constant 0 : index
    %get3A_34 = memref.load %arg6[%get3A_32, %get3A_33] : memref<1x1xf32, #tpu.memory_space<smem>>
    %add3A = vector.broadcast %get3A_34 : f32 to vector<2048xf32>
    %add3A_35 = arith.addf %reduce_sum3A_31, %add3A : vector<2048xf32>
    %broadcast_in_dim3A_36 = vector.shape_cast %add3A_35 : vector<2048xf32> to vector<2048x1xf32>
    %convert_element_type3A_37 = arith.truncf %broadcast_in_dim3A_36 : vector<2048x1xf32> to vector<2048x1xbf16>
    %mul3A_38 = vector.broadcast %convert_element_type3A_37 : vector<2048x1xbf16> to vector<2048x256xbf16>
    %mul3A_39 = arith.mulf %convert_element_type3A_11, %mul3A_38 : vector<2048x256xbf16>
    %dot_general3A_40 = arith.constant dense<0.000000e+00> : vector<256x256xf32>
    %dot_general3A_41 = tpu.matmul %mul3A_39, %convert_element_type3A_17, %dot_general3A_40 {dimension_numbers = #tpu.dot_dimension_numbers<[0], [0], [1], [1], [0, 1, 1, 1], [], []>, transpose_lhs_hint = false} : vector<2048x256xbf16>, vector<2048x256xbf16>, vector<256x256xf32> -> vector<256x256xf32>
    %eq3A_42 = arith.constant 0 : i32
    %eq3A_43 = arith.cmpi eq, %arg0, %eq3A_42 : i32
    %convert_element_type3A_44 = arith.extui %eq3A_43 : i1 to i32
    %cond3A = arith.constant 0 : i32
    %cond3A_45 = arith.cmpi ne, %convert_element_type3A_44, %cond3A : i32
    scf.if %cond3A_45 {
      %broadcast_in_dim3A_52 = arith.constant 0.000000e+00 : f32
      %broadcast_in_dim3A_53 = vector.broadcast %broadcast_in_dim3A_52 : f32 to vector<256x256xf32>
      %swap3A_54 = arith.constant 0 : index
      %swap3A_55 = arith.constant 0 : index
      %swap3A_56 = vector.load %arg7[%swap3A_54, %swap3A_55] : memref<256x256xf32, #tpu.memory_space<vmem>>, vector<256x256xf32>
      tpu.vector_store %arg7[%swap3A_54, %swap3A_55], %broadcast_in_dim3A_53 {strides = array<i32>} : memref<256x256xf32, #tpu.memory_space<vmem>>, vector<256x256xf32>,
    } else {
    }
    %get3A_46 = arith.constant 0 : index
    %get3A_47 = arith.constant 0 : index
    %get3A_48 = vector.load %arg7[%get3A_46, %get3A_47] : memref<256x256xf32, #tpu.memory_space<vmem>>, vector<256x256xf32>
    %add3A_49 = arith.addf %get3A_48, %dot_general3A_41 : vector<256x256xf32>
    %swap3A = arith.constant 0 : index
    %swap3A_50 = arith.constant 0 : index
    %swap3A_51 = vector.load %arg7[%swap3A, %swap3A_50] : memref<256x256xf32, #tpu.memory_space<vmem>>, vector<256x256xf32>
    tpu.vector_store %arg7[%swap3A, %swap3A_50], %add3A_49 {strides = array<i32>} : memref<256x256xf32, #tpu.memory_space<vmem>>, vector<256x256xf32>,
    return
  }
  func.func @transform_0(%arg0: i32) -> (i32, i32, i32) {
    %c0_i32 = arith.constant 0 : i32
    %c0_i32_0 = arith.constant 0 : i32
    %c0_i32_1 = arith.constant 0 : i32
    return %arg0, %c0_i32, %c0_i32_0 : i32, i32, i32
  }
  func.func @transform_1(%arg0: i32) -> (i32, i32, i32) {
    %c0_i32 = arith.constant 0 : i32
    %c0_i32_0 = arith.constant 0 : i32
    %c0_i32_1 = arith.constant 0 : i32
    return %arg0, %c0_i32, %c0_i32_0 : i32, i32, i32
  }
  func.func @transform_2(%arg0: i32) -> (i32, i32) {
    %c0_i32 = arith.constant 0 : i32
    %c0_i32_0 = arith.constant 0 : i32
    return %arg0, %c0_i32 : i32, i32
  }
  func.func @transform_3(%arg0: i32) -> (i32, i32) {
    %c0_i32 = arith.constant 0 : i32
    %c0_i32_0 = arith.constant 0 : i32
    %c0_i32_1 = arith.constant 0 : i32
    return %c0_i32, %c0_i32_0 : i32, i32
  }
  func.func @transform_4(%arg0: i32) -> (i32, i32) {
    %c0_i32 = arith.constant 0 : i32
    %c0_i32_0 = arith.constant 0 : i32
    %c0_i32_1 = arith.constant 0 : i32
    return %c0_i32, %c0_i32_0 : i32, i32
  }
  func.func @transform_5(%arg0: i32) -> (i32, i32) {
    %c0_i32 = arith.constant 0 : i32
    %c0_i32_0 = arith.constant 0 : i32
    %c0_i32_1 = arith.constant 0 : i32
    return %c0_i32, %c0_i32_0 : i32, i32
  }
  func.func @transform_6(%arg0: i32) -> (i32, i32) {
    %c0_i32 = arith.constant 0 : i32
    %c0_i32_0 = arith.constant 0 : i32
    %c0_i32_1 = arith.constant 0 : i32
    return %c0_i32, %c0_i32_0 : i32, i32
  }
}

module attributes {stable_mosaic.version = 14 : i64} {
  func.func @_finish_body(%arg0: i32, %arg1: memref<256x256xf32, #tpu.memory_space<vmem>>, %arg2: memref<512x256xf32, #tpu.memory_space<vmem>>, %arg3: memref<256x256xf32, #tpu.memory_space<vmem>>, %arg4: memref<256x512xf32, #tpu.memory_space<vmem>>, %arg5: memref<256x512xf32, #tpu.memory_space<vmem>>, %arg6: memref<1x512xf32, #tpu.memory_space<vmem>>, %arg7: memref<1x512xf32, #tpu.memory_space<vmem>>, %arg8: memref<512x1024xf32, #tpu.memory_space<vmem>>, %arg9: memref<1x1024xf32, #tpu.memory_space<vmem>>, %arg10: memref<1024x512xf32, #tpu.memory_space<vmem>>, %arg11: memref<1x512xf32, #tpu.memory_space<vmem>>, %arg12: memref<256x512xf32, #tpu.memory_space<vmem>>) attributes {dimension_semantics = [#tpu.dimension_semantics<arbitrary>], iteration_bounds = array<i64: 1>, scalar_prefetch = 0 : i64, scratch_operands = 0 : i64, tpu.core_type = #tpu.core_type<tc>, window_params = [{pipeline_mode = #tpu.pipeline_mode<synchronous>, transform_indices = @transform_0, window_bounds = array<i64: 256, 256>}, {pipeline_mode = #tpu.pipeline_mode<synchronous>, transform_indices = @transform_1, window_bounds = array<i64: 512, 256>}, {pipeline_mode = #tpu.pipeline_mode<synchronous>, transform_indices = @transform_2, window_bounds = array<i64: 256, 256>}, {pipeline_mode = #tpu.pipeline_mode<synchronous>, transform_indices = @transform_3, window_bounds = array<i64: 256, 512>}, {pipeline_mode = #tpu.pipeline_mode<synchronous>, transform_indices = @transform_4, window_bounds = array<i64: 256, 512>}, {pipeline_mode = #tpu.pipeline_mode<synchronous>, transform_indices = @transform_5, window_bounds = array<i64: 1, 512>}, {pipeline_mode = #tpu.pipeline_mode<synchronous>, transform_indices = @transform_6, window_bounds = array<i64: 1, 512>}, {pipeline_mode = #tpu.pipeline_mode<synchronous>, transform_indices = @transform_7, window_bounds = array<i64: 512, 1024>}, {pipeline_mode = #tpu.pipeline_mode<synchronous>, transform_indices = @transform_8, window_bounds = array<i64: 1, 1024>}, {pipeline_mode = #tpu.pipeline_mode<synchronous>, transform_indices = @transform_9, window_bounds = array<i64: 1024, 512>}, {pipeline_mode = #tpu.pipeline_mode<synchronous>, transform_indices = @transform_10, window_bounds = array<i64: 1, 512>}, {pipeline_mode = #tpu.pipeline_mode<synchronous>, transform_indices = @transform_11, window_bounds = array<i64: 256, 512>}]} {
    %get3A = arith.constant 0 : index
    %get3A_0 = arith.constant 0 : index
    %get3A_1 = vector.load %arg1[%get3A, %get3A_0] : memref<256x256xf32, #tpu.memory_space<vmem>>, vector<256x256xf32>
    %get3A_2 = arith.constant 0 : index
    %get3A_3 = arith.constant 0 : index
    %get3A_4 = vector.load %arg2[%get3A_2, %get3A_3] : memref<512x256xf32, #tpu.memory_space<vmem>>, vector<256x256xf32>
    %add3A = arith.addf %get3A_1, %get3A_4 : vector<256x256xf32>
    %get3A_5 = arith.constant 256 : index
    %get3A_6 = arith.constant 0 : index
    %get3A_7 = vector.load %arg2[%get3A_5, %get3A_6] : memref<512x256xf32, #tpu.memory_space<vmem>>, vector<256x256xf32>
    %add3A_8 = arith.addf %add3A, %get3A_7 : vector<256x256xf32>
    %iota3A = tpu.iota {dimensions = array<i32: 0>} : vector<256x256xi32>
    %iota3A_9 = tpu.iota {dimensions = array<i32: 1>} : vector<256x256xi32>
    %eq3A = arith.cmpi eq, %iota3A, %iota3A_9 : vector<256x256xi32>
    %jit3A = arith.constant 1.000000e+04 : f32
    %jit3A_10 = arith.constant 0.000000e+00 : f32
    %broadcast_in_dim3A = vector.broadcast %jit3A : f32 to vector<256x256xf32>
    %broadcast_in_dim3A_11 = vector.broadcast %jit3A_10 : f32 to vector<256x256xf32>
    %select_n3A = arith.select %eq3A, %broadcast_in_dim3A, %broadcast_in_dim3A_11 : vector<256x256xi1>, vector<256x256xf32>
    %sub3A = arith.subf %add3A_8, %select_n3A : vector<256x256xf32>
    %reduce_max3A = arith.constant dense<0xFF800000> : vector<256xf32>
    %reduce_max3A_12 = vector.multi_reduction <maximumf>, %sub3A, %reduce_max3A [1] : vector<256x256xf32> to vector<256xf32>
    %broadcast_in_dim3A_13 = vector.shape_cast %reduce_max3A_12 : vector<256xf32> to vector<256x1xf32>
    %sub3A_14 = vector.broadcast %broadcast_in_dim3A_13 : vector<256x1xf32> to vector<256x256xf32>
    %sub3A_15 = arith.subf %sub3A, %sub3A_14 : vector<256x256xf32>
    %exp3A = math.exp %sub3A_15 : vector<256x256xf32>
    %reduce_sum3A = arith.constant dense<0.000000e+00> : vector<256xf32>
    %reduce_sum3A_16 = vector.multi_reduction <add>, %exp3A, %reduce_sum3A [1] : vector<256x256xf32> to vector<256xf32>
    %broadcast_in_dim3A_17 = vector.shape_cast %reduce_sum3A_16 : vector<256xf32> to vector<256x1xf32>
    %div3A = vector.broadcast %broadcast_in_dim3A_17 : vector<256x1xf32> to vector<256x256xf32>
    %div3A_18 = arith.divf %exp3A, %div3A : vector<256x256xf32>
    %get3A_19 = arith.constant 0 : index
    %get3A_20 = arith.constant 0 : index
    %get3A_21 = vector.load %arg3[%get3A_19, %get3A_20] : memref<256x256xf32, #tpu.memory_space<vmem>>, vector<256x256xf32>
    %mul3A = arith.mulf %get3A_21, %div3A_18 : vector<256x256xf32>
    %get3A_22 = arith.constant 0 : index
    %get3A_23 = arith.constant 0 : index
    %get3A_24 = vector.load %arg4[%get3A_22, %get3A_23] : memref<256x512xf32, #tpu.memory_space<vmem>>, vector<256x512xf32>
    %convert_element_type3A = arith.truncf %mul3A : vector<256x256xf32> to vector<256x256xbf16>
    %convert_element_type3A_25 = arith.extf %convert_element_type3A : vector<256x256xbf16> to vector<256x256xf32>
    %sub3A_26 = arith.subf %mul3A, %convert_element_type3A_25 : vector<256x256xf32>
    %convert_element_type3A_27 = arith.truncf %sub3A_26 : vector<256x256xf32> to vector<256x256xbf16>
    %convert_element_type3A_28 = arith.truncf %get3A_24 : vector<256x512xf32> to vector<256x512xbf16>
    %convert_element_type3A_29 = arith.extf %convert_element_type3A_28 : vector<256x512xbf16> to vector<256x512xf32>
    %sub3A_30 = arith.subf %get3A_24, %convert_element_type3A_29 : vector<256x512xf32>
    %convert_element_type3A_31 = arith.truncf %sub3A_30 : vector<256x512xf32> to vector<256x512xbf16>
    %dot_general3A = arith.constant dense<0.000000e+00> : vector<256x512xf32>
    %dot_general3A_32 = tpu.matmul %convert_element_type3A, %convert_element_type3A_28, %dot_general3A {dimension_numbers = #tpu.dot_dimension_numbers<[1], [0], [0], [1], [0, 0, 1, 1], [], []>, transpose_lhs_hint = false} : vector<256x256xbf16>, vector<256x512xbf16>, vector<256x512xf32> -> vector<256x512xf32>
    %dot_general3A_33 = arith.constant dense<0.000000e+00> : vector<256x512xf32>
    %dot_general3A_34 = tpu.matmul %convert_element_type3A, %convert_element_type3A_31, %dot_general3A_33 {dimension_numbers = #tpu.dot_dimension_numbers<[1], [0], [0], [1], [0, 0, 1, 1], [], []>, transpose_lhs_hint = false} : vector<256x256xbf16>, vector<256x512xbf16>, vector<256x512xf32> -> vector<256x512xf32>
    %add3A_35 = arith.addf %dot_general3A_32, %dot_general3A_34 : vector<256x512xf32>
    %dot_general3A_36 = arith.constant dense<0.000000e+00> : vector<256x512xf32>
    %dot_general3A_37 = tpu.matmul %convert_element_type3A_27, %convert_element_type3A_28, %dot_general3A_36 {dimension_numbers = #tpu.dot_dimension_numbers<[1], [0], [0], [1], [0, 0, 1, 1], [], []>, transpose_lhs_hint = false} : vector<256x256xbf16>, vector<256x512xbf16>, vector<256x512xf32> -> vector<256x512xf32>
    %add3A_38 = arith.addf %add3A_35, %dot_general3A_37 : vector<256x512xf32>
    %get3A_39 = arith.constant 0 : index
    %get3A_40 = arith.constant 0 : index
    %get3A_41 = vector.load %arg5[%get3A_39, %get3A_40] : memref<256x512xf32, #tpu.memory_space<vmem>>, vector<256x512xf32>
    %add3A_42 = arith.addf %get3A_41, %add3A_38 : vector<256x512xf32>
    %reduce_sum3A_43 = arith.constant dense<0.000000e+00> : vector<256xf32>
    %reduce_sum3A_44 = vector.multi_reduction <add>, %add3A_42, %reduce_sum3A_43 [1] : vector<256x512xf32> to vector<256xf32>
    %broadcast_in_dim3A_45 = vector.shape_cast %reduce_sum3A_44 : vector<256xf32> to vector<256x1xf32>
    %div3A_46 = arith.constant 5.120000e+02 : f32
    %div3A_47 = vector.broadcast %div3A_46 : f32 to vector<256x1xf32>
    %div3A_48 = arith.divf %broadcast_in_dim3A_45, %div3A_47 : vector<256x1xf32>
    %sub3A_49 = vector.broadcast %div3A_48 : vector<256x1xf32> to vector<256x512xf32>
    %sub3A_50 = arith.subf %add3A_42, %sub3A_49 : vector<256x512xf32>
    %mul3A_51 = arith.mulf %sub3A_50, %sub3A_50 : vector<256x512xf32>
    %reduce_sum3A_52 = arith.constant dense<0.000000e+00> : vector<256xf32>
    %reduce_sum3A_53 = vector.multi_reduction <add>, %mul3A_51, %reduce_sum3A_52 [1] : vector<256x512xf32> to vector<256xf32>
    %broadcast_in_dim3A_54 = vector.shape_cast %reduce_sum3A_53 : vector<256xf32> to vector<256x1xf32>
    %div3A_55 = arith.constant 5.120000e+02 : f32
    %div3A_56 = vector.broadcast %div3A_55 : f32 to vector<256x1xf32>
    %div3A_57 = arith.divf %broadcast_in_dim3A_54, %div3A_56 : vector<256x1xf32>
    %add3A_58 = arith.constant 9.99999974E-6 : f32
    %add3A_59 = vector.broadcast %add3A_58 : f32 to vector<256x1xf32>
    %add3A_60 = arith.addf %div3A_57, %add3A_59 : vector<256x1xf32>
    %sqrt3A = math.sqrt %add3A_60 : vector<256x1xf32>
    %div3A_61 = vector.broadcast %sqrt3A : vector<256x1xf32> to vector<256x512xf32>
    %div3A_62 = arith.divf %sub3A_50, %div3A_61 : vector<256x512xf32>
    %get3A_63 = arith.constant 0 : index
    %get3A_64 = arith.constant 0 : index
    %get3A_65 = vector.load %arg6[%get3A_63, %get3A_64] : memref<1x512xf32, #tpu.memory_space<vmem>>, vector<1x512xf32>
    %mul3A_66 = vector.broadcast %get3A_65 : vector<1x512xf32> to vector<256x512xf32>
    %mul3A_67 = arith.mulf %div3A_62, %mul3A_66 : vector<256x512xf32>
    %get3A_68 = arith.constant 0 : index
    %get3A_69 = arith.constant 0 : index
    %get3A_70 = vector.load %arg7[%get3A_68, %get3A_69] : memref<1x512xf32, #tpu.memory_space<vmem>>, vector<1x512xf32>
    %add3A_71 = vector.broadcast %get3A_70 : vector<1x512xf32> to vector<256x512xf32>
    %add3A_72 = arith.addf %mul3A_67, %add3A_71 : vector<256x512xf32>
    %get3A_73 = arith.constant 0 : index
    %get3A_74 = arith.constant 0 : index
    %get3A_75 = vector.load %arg8[%get3A_73, %get3A_74] : memref<512x1024xf32, #tpu.memory_space<vmem>>, vector<512x1024xf32>
    %convert_element_type3A_76 = arith.truncf %add3A_72 : vector<256x512xf32> to vector<256x512xbf16>
    %convert_element_type3A_77 = arith.extf %convert_element_type3A_76 : vector<256x512xbf16> to vector<256x512xf32>
    %sub3A_78 = arith.subf %add3A_72, %convert_element_type3A_77 : vector<256x512xf32>
    %convert_element_type3A_79 = arith.truncf %sub3A_78 : vector<256x512xf32> to vector<256x512xbf16>
    %convert_element_type3A_80 = arith.truncf %get3A_75 : vector<512x1024xf32> to vector<512x1024xbf16>
    %convert_element_type3A_81 = arith.extf %convert_element_type3A_80 : vector<512x1024xbf16> to vector<512x1024xf32>
    %sub3A_82 = arith.subf %get3A_75, %convert_element_type3A_81 : vector<512x1024xf32>
    %convert_element_type3A_83 = arith.truncf %sub3A_82 : vector<512x1024xf32> to vector<512x1024xbf16>
    %dot_general3A_84 = arith.constant dense<0.000000e+00> : vector<256x1024xf32>
    %dot_general3A_85 = tpu.matmul %convert_element_type3A_76, %convert_element_type3A_80, %dot_general3A_84 {dimension_numbers = #tpu.dot_dimension_numbers<[1], [0], [0], [1], [0, 0, 1, 1], [], []>, transpose_lhs_hint = false} : vector<256x512xbf16>, vector<512x1024xbf16>, vector<256x1024xf32> -> vector<256x1024xf32>
    %dot_general3A_86 = arith.constant dense<0.000000e+00> : vector<256x1024xf32>
    %dot_general3A_87 = tpu.matmul %convert_element_type3A_76, %convert_element_type3A_83, %dot_general3A_86 {dimension_numbers = #tpu.dot_dimension_numbers<[1], [0], [0], [1], [0, 0, 1, 1], [], []>, transpose_lhs_hint = false} : vector<256x512xbf16>, vector<512x1024xbf16>, vector<256x1024xf32> -> vector<256x1024xf32>
    %add3A_88 = arith.addf %dot_general3A_85, %dot_general3A_87 : vector<256x1024xf32>
    %dot_general3A_89 = arith.constant dense<0.000000e+00> : vector<256x1024xf32>
    %dot_general3A_90 = tpu.matmul %convert_element_type3A_79, %convert_element_type3A_80, %dot_general3A_89 {dimension_numbers = #tpu.dot_dimension_numbers<[1], [0], [0], [1], [0, 0, 1, 1], [], []>, transpose_lhs_hint = false} : vector<256x512xbf16>, vector<512x1024xbf16>, vector<256x1024xf32> -> vector<256x1024xf32>
    %add3A_91 = arith.addf %add3A_88, %dot_general3A_90 : vector<256x1024xf32>
    %get3A_92 = arith.constant 0 : index
    %get3A_93 = arith.constant 0 : index
    %get3A_94 = vector.load %arg9[%get3A_92, %get3A_93] : memref<1x1024xf32, #tpu.memory_space<vmem>>, vector<1x1024xf32>
    %add3A_95 = vector.broadcast %get3A_94 : vector<1x1024xf32> to vector<256x1024xf32>
    %add3A_96 = arith.addf %add3A_91, %add3A_95 : vector<256x1024xf32>
    %max3A = arith.constant 0.000000e+00 : f32
    %max3A_97 = vector.broadcast %max3A : f32 to vector<256x1024xf32>
    %max3A_98 = arith.maximumf %add3A_96, %max3A_97 : vector<256x1024xf32>
    %get3A_99 = arith.constant 0 : index
    %get3A_100 = arith.constant 0 : index
    %get3A_101 = vector.load %arg10[%get3A_99, %get3A_100] : memref<1024x512xf32, #tpu.memory_space<vmem>>, vector<1024x512xf32>
    %convert_element_type3A_102 = arith.truncf %max3A_98 : vector<256x1024xf32> to vector<256x1024xbf16>
    %convert_element_type3A_103 = arith.extf %convert_element_type3A_102 : vector<256x1024xbf16> to vector<256x1024xf32>
    %sub3A_104 = arith.subf %max3A_98, %convert_element_type3A_103 : vector<256x1024xf32>
    %convert_element_type3A_105 = arith.truncf %sub3A_104 : vector<256x1024xf32> to vector<256x1024xbf16>
    %convert_element_type3A_106 = arith.truncf %get3A_101 : vector<1024x512xf32> to vector<1024x512xbf16>
    %convert_element_type3A_107 = arith.extf %convert_element_type3A_106 : vector<1024x512xbf16> to vector<1024x512xf32>
    %sub3A_108 = arith.subf %get3A_101, %convert_element_type3A_107 : vector<1024x512xf32>
    %convert_element_type3A_109 = arith.truncf %sub3A_108 : vector<1024x512xf32> to vector<1024x512xbf16>
    %dot_general3A_110 = arith.constant dense<0.000000e+00> : vector<256x512xf32>
    %dot_general3A_111 = tpu.matmul %convert_element_type3A_102, %convert_element_type3A_106, %dot_general3A_110 {dimension_numbers = #tpu.dot_dimension_numbers<[1], [0], [0], [1], [0, 0, 1, 1], [], []>, transpose_lhs_hint = false} : vector<256x1024xbf16>, vector<1024x512xbf16>, vector<256x512xf32> -> vector<256x512xf32>
    %dot_general3A_112 = arith.constant dense<0.000000e+00> : vector<256x512xf32>
    %dot_general3A_113 = tpu.matmul %convert_element_type3A_102, %convert_element_type3A_109, %dot_general3A_112 {dimension_numbers = #tpu.dot_dimension_numbers<[1], [0], [0], [1], [0, 0, 1, 1], [], []>, transpose_lhs_hint = false} : vector<256x1024xbf16>, vector<1024x512xbf16>, vector<256x512xf32> -> vector<256x512xf32>
    %add3A_114 = arith.addf %dot_general3A_111, %dot_general3A_113 : vector<256x512xf32>
    %dot_general3A_115 = arith.constant dense<0.000000e+00> : vector<256x512xf32>
    %dot_general3A_116 = tpu.matmul %convert_element_type3A_105, %convert_element_type3A_106, %dot_general3A_115 {dimension_numbers = #tpu.dot_dimension_numbers<[1], [0], [0], [1], [0, 0, 1, 1], [], []>, transpose_lhs_hint = false} : vector<256x1024xbf16>, vector<1024x512xbf16>, vector<256x512xf32> -> vector<256x512xf32>
    %add3A_117 = arith.addf %add3A_114, %dot_general3A_116 : vector<256x512xf32>
    %get3A_118 = arith.constant 0 : index
    %get3A_119 = arith.constant 0 : index
    %get3A_120 = vector.load %arg11[%get3A_118, %get3A_119] : memref<1x512xf32, #tpu.memory_space<vmem>>, vector<1x512xf32>
    %add3A_121 = vector.broadcast %get3A_120 : vector<1x512xf32> to vector<256x512xf32>
    %add3A_122 = arith.addf %add3A_117, %add3A_121 : vector<256x512xf32>
    %add3A_123 = arith.addf %add3A_42, %add3A_122 : vector<256x512xf32>
    %max3A_124 = arith.constant 0.000000e+00 : f32
    %max3A_125 = vector.broadcast %max3A_124 : f32 to vector<256x512xf32>
    %max3A_126 = arith.maximumf %add3A_123, %max3A_125 : vector<256x512xf32>
    %swap3A = arith.constant 0 : index
    %swap3A_127 = arith.constant 0 : index
    %swap3A_128 = vector.load %arg12[%swap3A, %swap3A_127] : memref<256x512xf32, #tpu.memory_space<vmem>>, vector<256x512xf32>
    tpu.vector_store %arg12[%swap3A, %swap3A_127], %max3A_126 {strides = array<i32>} : memref<256x512xf32, #tpu.memory_space<vmem>>, vector<256x512xf32>,
    return
  }
  func.func @transform_0(%arg0: i32) -> (i32, i32) {
    %c0_i32 = arith.constant 0 : i32
    %c0_i32_0 = arith.constant 0 : i32
    %c0_i32_1 = arith.constant 0 : i32
    return %c0_i32, %c0_i32_0 : i32, i32
  }
  func.func @transform_1(%arg0: i32) -> (i32, i32) {
    %c0_i32 = arith.constant 0 : i32
    %c0_i32_0 = arith.constant 0 : i32
    %c0_i32_1 = arith.constant 0 : i32
    return %c0_i32, %c0_i32_0 : i32, i32
  }
  func.func @transform_2(%arg0: i32) -> (i32, i32) {
    %c0_i32 = arith.constant 0 : i32
    %c0_i32_0 = arith.constant 0 : i32
    %c0_i32_1 = arith.constant 0 : i32
    return %c0_i32, %c0_i32_0 : i32, i32
  }
  func.func @transform_3(%arg0: i32) -> (i32, i32) {
    %c0_i32 = arith.constant 0 : i32
    %c0_i32_0 = arith.constant 0 : i32
    %c0_i32_1 = arith.constant 0 : i32
    return %c0_i32, %c0_i32_0 : i32, i32
  }
  func.func @transform_4(%arg0: i32) -> (i32, i32) {
    %c0_i32 = arith.constant 0 : i32
    %c0_i32_0 = arith.constant 0 : i32
    %c0_i32_1 = arith.constant 0 : i32
    return %c0_i32, %c0_i32_0 : i32, i32
  }
  func.func @transform_5(%arg0: i32) -> (i32, i32) {
    %c0_i32 = arith.constant 0 : i32
    %c0_i32_0 = arith.constant 0 : i32
    %c0_i32_1 = arith.constant 0 : i32
    return %c0_i32, %c0_i32_0 : i32, i32
  }
  func.func @transform_6(%arg0: i32) -> (i32, i32) {
    %c0_i32 = arith.constant 0 : i32
    %c0_i32_0 = arith.constant 0 : i32
    %c0_i32_1 = arith.constant 0 : i32
    return %c0_i32, %c0_i32_0 : i32, i32
  }
  func.func @transform_7(%arg0: i32) -> (i32, i32) {
    %c0_i32 = arith.constant 0 : i32
    %c0_i32_0 = arith.constant 0 : i32
    %c0_i32_1 = arith.constant 0 : i32
    return %c0_i32, %c0_i32_0 : i32, i32
  }
  func.func @transform_8(%arg0: i32) -> (i32, i32) {
    %c0_i32 = arith.constant 0 : i32
    %c0_i32_0 = arith.constant 0 : i32
    %c0_i32_1 = arith.constant 0 : i32
    return %c0_i32, %c0_i32_0 : i32, i32
  }
  func.func @transform_9(%arg0: i32) -> (i32, i32) {
    %c0_i32 = arith.constant 0 : i32
    %c0_i32_0 = arith.constant 0 : i32
    %c0_i32_1 = arith.constant 0 : i32
    return %c0_i32, %c0_i32_0 : i32, i32
  }
  func.func @transform_10(%arg0: i32) -> (i32, i32) {
    %c0_i32 = arith.constant 0 : i32
    %c0_i32_0 = arith.constant 0 : i32
    %c0_i32_1 = arith.constant 0 : i32
    return %c0_i32, %c0_i32_0 : i32, i32
  }
  func.func @transform_11(%arg0: i32) -> (i32, i32) {
    %c0_i32 = arith.constant 0 : i32
    %c0_i32_0 = arith.constant 0 : i32
    %c0_i32_1 = arith.constant 0 : i32
    return %c0_i32, %c0_i32_0 : i32, i32
  }
}

</mosaic_0001>

<sc_bundles>
// kernel: kernel.6.cloned.1.call-start
scs
__scs_entry_jumppad:
0x0: {  	(pc) =	sbr.rel $0x88, $3  }
0x1: {  	(tag) =	ssettag $0x0;
	lr =	simm.s32 $0x1  }
0x2: {  	[smem:$0x3F8E] =	sst lr;
	_ =	strace $0xD0000000  }
0x3: {  	_ = 	snop  }
0x4: {  	_ = 	snop  }
0x5: {  	_ = 	snop  }
0x6: {  	_ = 	snop  }
0x7: {  	_ = 	snop  }
__scs_overlays_trampoline_lowered:
0x8: {  	[smem:$0x3F9D] =	sst s0  }
0x9: {  	[smem:$0x3F9E] =	sst s1  }
0xa: {  	[smem:$0x3F9F] =	sst s2  }
0xb: {  	[smem:$0x3FA0] =	sst s3  }
0xc: {  	[smem:$0x3FA1] =	sst s4  }
0xd: {  	[smem:$0x3FA2] =	sst s5  }
0xe: {  	[smem:$0x3FA3] =	sst s6  }
0xf: {  	[smem:$0x3FA4] =	sst s7  }
0x10: {  	[smem:$0x3FA5] =	sst s8  }
0x11: {  	[smem:$0x3FA6] =	sst s9;
	s0 =	simm.s32 @!p0 $0x0  }
0x12: {  	s1 =	sld [smem:$0x3F8C];
	s0 =	simm.s32 @p0 $0x1  }
0x13: {  	[smem:$0x3FA7] =	sst s0;
	s0 =	simm.s32 @!p1 $0x0  }
0x14: {  	s2 =	sld [smem:$0x3F8B];
	s0 =	simm.s32 @p1 $0x1  }
0x15: {  	[smem:$0x3FA8] =	sst s0;
	s0 =	simm.s32 @!p2 $0x0  }
0x16: {  	s3 =	sld [smem:$0x3FDB];
	s0 =	simm.s32 @p2 $0x1  }
0x17: {  	s4 =	simm.s32 $0x1BF5;
	[smem:$0x3FAA] =	sst s0  }
0x18: {  	s0 =	sld [smem:$0x3F8D];
	_ =	swait.ge [sflag:s4], $0x0  }
0x19: {  	s7 =	sld [smem:$0x3F8E]  }
0x1a: {  	s8 =	sadd.s32 $0xFFFFE003, lr  }
0x1b: {  	s9 =	sadd.s32 $0xFFFFFEF7, lr;
	s5 =	simm.s32 $0xFFFFFFFF;
	p2 =	slt.u32 s8, $0xFFFFF086  }
0x1c: {  	p1 =	slt.u32 s9, $0xF7A;
	s5 =	simm.s32 @!p2 $0x0  }
0x1d: {  	s5 =	simm.s32 @p1 $0x1;
	p0 =	seq.s32 s7, s2  }
0x1e: {  	s7 =	smul.u32 @!p0 $0xF7A, s2;
	p2 =	seq.s32 @!p0 s5, $0x0  }
0x1f: {  	s9 =	smul.u32 $0xF7A, s1;
	s8 =	simm.s32 @!p0 $0x1BF5;
	p2 =	por !p2, p0  }
0x20: {  	[sflag:s8] =	ssyncset.s32 @!p0 $0xFFFFF086;
	s6 =	sadd.s32 @!p0 s3, s7;
	s7 =	simm.s32 @!p0 $0x108  }
0x21: {  	s3 =	sadd.s32 s3, s9;
	s6 =	sadd.s32 @!p0 $0x88, s6;
	s7 =	simm.s32 @p2 $0x1082  }
0x22: {  	[simem:s7], [sflag:s8] =	dma.local @!p0 [hbm:s6], $0xF7A  }
0x23: {  	s9 =	sor.u32 $0xD0000000, s2;
	s6 =	simm.s32 $0x108;
	_ =	swait.ge @!p0 [sflag:s8], $0x0  }
0x24: {  	s3 =	sadd.s32 $0x88, s3;
	s6 =	simm.s32 @!p1 $0x1082;
	[sflag:s4] =	ssyncset.s32 $0xFFFFF086  }
0x25: {  	[simem:s6], [sflag:s4] =	dma.local [hbm:s3], $0xF7A  }
0x26: {  	[smem:$0x3F8E] =	sst s1;
	(tag) =	ssettag s2;
	_ =	strace s9  }
0x27: {  	s1 =	sld [smem:$0x3F9E]  }
0x28: {  	s2 =	sld [smem:$0x3F9F]  }
0x29: {  	s4 =	sld [smem:$0x3FA1]  }
0x2a: {  	p0 =	seq.s32 s5, $0x0;
	s5 =	sld [smem:$0x3FA2]  }
0x2b: {  	s6 =	sld [smem:$0x3FA3]  }
0x2c: {  	s7 =	sld [smem:$0x3FA4]  }
0x2d: {  	s3 =	simm.s32 $0x108;
	s8 =	sld [smem:$0x3FA5]  }
0x2e: {  	s3 =	simm.s32 @!p0 $0x1082;
	s9 =	sld [smem:$0x3FA6]  }
0x2f: {  	lr =	sadd.s32 s0, s3;
	s0 =	sld [smem:$0x3F9D]  }
0x30: {  	s3 =	sld [smem:$0x3FA0]  }
0x31: {  	[smem:$0x3FA9] =	sst s10  }
0x32: {  	s10 =	sld [smem:$0x3FA7];
	_ =	sdelay $0x3  }
0x33: {  	p0 =	seq.s32 s10, $0x1;
	s10 =	sld [smem:$0x3FA9];
	_ =	sdelay $0x3  }
0x34: {  	[smem:$0x3FA9] =	sst s10  }
0x35: {  	s10 =	sld [smem:$0x3FA8];
	_ =	sdelay $0x3  }
0x36: {  	p1 =	seq.s32 s10, $0x1;
	s10 =	sld [smem:$0x3FA9];
	_ =	sdelay $0x3  }
0x37: {  	[smem:$0x3FA9] =	sst s10  }
0x38: {  	s10 =	sld [smem:$0x3FAA]  }
0x39: {  	_ = 	snop;
	(pc) =	sbr.ind lr, $3  }
0x3a: {  	_ = 	snop  }
0x3b: {  	_ = 	snop  }
0x3c: {  	p2 =	seq.s32 s10, $0x1;
	s10 =	sld [smem:$0x3FA9]  }
0x3d: {  	_ =	shalt  }
0x3e: {  	_ =	shalt  }
0x3f: {  	_ =	shalt  }
0x40: {  	_ =	shalt  }
0x41: {  	_ =	shalt  }
0x42: {  	_ =	shalt  }
0x43: {  	_ =	shalt  }
0x44: {  	_ =	shalt  }
0x45: {  	_ =	shalt  }
0x46: {  	_ =	shalt  }
0x47: {  	_ =	shalt  }
0x48: {  	_ =	shalt  }
0x49: {  	_ =	shalt  }
0x4a: {  	_ =	shalt  }
0x4b: {  	_ =	shalt  }
0x4c: {  	_ =	shalt  }
0x4d: {  	_ =	shalt  }
0x4e: {  	_ =	shalt  }
0x4f: {  	_ =	shalt  }
0x50: {  	_ =	shalt  }
0x51: {  	_ =	shalt  }
0x52: {  	_ =	shalt  }
0x53: {  	_ =	shalt  }
0x54: {  	_ =	shalt  }
0x55: {  	_ =	shalt  }
0x56: {  	_ =	shalt  }
0x57: {  	_ =	shalt  }
0x58: {  	_ =	shalt  }
0x59: {  	_ =	shalt  }
0x5a: {  	_ =	shalt  }
0x5b: {  	_ =	shalt  }
0x5c: {  	_ =	shalt  }
0x5d: {  	_ =	shalt  }
0x5e: {  	_ =	shalt  }
0x5f: {  	_ =	shalt  }
0x60: {  	_ =	shalt  }
0x61: {  	_ =	shalt  }
0x62: {  	_ =	shalt  }
0x63: {  	_ =	shalt  }
0x64: {  	_ =	shalt  }
0x65: {  	_ =	shalt  }
0x66: {  	_ =	shalt  }
0x67: {  	_ =	shalt  }
0x68: {  	_ =	shalt  }
0x69: {  	_ =	shalt  }
0x6a: {  	_ =	shalt  }
0x6b: {  	_ =	shalt  }
0x6c: {  	_ =	shalt  }
0x6d: {  	_ =	shalt  }
0x6e: {  	_ =	shalt  }
0x6f: {  	_ =	shalt  }
0x70: {  	_ =	shalt  }
0x71: {  	_ =	shalt  }
0x72: {  	_ =	shalt  }
0x73: {  	_ =	shalt  }
0x74: {  	_ =	shalt  }
0x75: {  	_ =	shalt  }
0x76: {  	_ =	shalt  }
0x77: {  	_ =	shalt  }
0x78: {  	_ =	shalt  }
0x79: {  	_ =	shalt  }
0x7a: {  	_ =	shalt  }
0x7b: {  	_ =	shalt  }
0x7c: {  	_ =	shalt  }
0x7d: {  	_ =	shalt  }
0x7e: {  	_ =	shalt  }
0x7f: {  	_ =	shalt  }
0x80: {  	_ =	shalt  }
0x81: {  	_ =	shalt  }
0x82: {  	_ =	shalt  }
0x83: {  	_ =	shalt  }
0x84: {  	_ =	shalt  }
0x85: {  	_ =	shalt  }
0x86: {  	_ =	shalt  }
0x87: {  	_ =	shalt  }
.Lfunc_end0:
.L_simem_size_0:
called_computation_lowered:
.L_overlay_start_0:
0x88: {  	s2 =	sld [smem:$0x3FD9]  }
0x89: {  	s3 =	sld [smem:$0x3FFE];
	_ =	sdelay $0x1  }
0x8a: {  	s1 =	srdreg.scid  }
0x8b: {  	s0 =	sand.u32 $0x1, s1  }
0x8c: {  	s17 =	sshll.u32 s0, $0xA;
	s2 =	sadd.s32 s3, s2  }
0x8d: {  	s2 =	sadd.s32 s2, s17  }
0x8e: {  	[smem:$0x3FB5] =	sst s2  }
0x8f: {  	_ = 	snop  }
0x90: {  	s2 =	sld [smem:$0x3FC8]  }
0x91: {  	s18 =	sld [smem:$0x3FD0];
	(tm) =	ssettm $0x1  }
0x92: {  	s4 =	sld [smem:$0x3FFB];
	_ =	sdelay $0x3  }
0x93: {  	_ =	strace s4  }
0x94: {  	s4 =	sld [smem:$0x3FFC];
	_ =	sdelay $0x3  }
0x95: {  	_ =	strace s4  }
0x96: {  	s4 =	sld [smem:$0x3FFD];
	_ =	sdelay $0x3  }
0x97: {  	_ =	strace s4  }
0x98: {  	_ =	strace $0x8FFFFFFF  }
0x99: {  	s19 =	sld [smem:$0x3FDB];
	_ =	sdelay $0x1  }
0x9a: {  	s5 =	simm.s32 $_scs_section_size  }
0x9b: {  	s6 =	simm.s32 $_size__tile_overlayer_lowered;
	s7 =	simm.s32 $_tile_overlayer_lowered  }
0x9c: {  	s22 =	simm.s32 $0x1BFF;
	s21 =	sshll.u32 s7, $0x1;
	s4 =	sadd.s32 s5, s19  }
0x9d: {  	s8 =	simm.s32 $0x0;
	s20 =	sshll.u32 s6, $0x1;
	s6 =	sadd.s32 s21, s4  }
0x9e: {  	[timem:s8], [sflag:s22] =	dma.local [hbm:s6], s20  }
0x9f: {  	_ =	swait.ge [sflag:s22], s20  }
0xa0: {  	s5 =	ssub.s32 $0x0, s20;
	[sflag:s22] =	ssyncset.done $0x0  }
0xa1: {  	[sflag:s22] =	ssyncadd.s32 s5;
	_ =	sdelay $0x1  }
0xa2: {  	s23 =	simm.s32 $0x1B8B  }
0xa3: {  	_ =	swait.ge [sflag:s23], $0x1  }
0xa4: {  	[sflag:s23] =	ssyncset.done $0x0  }
0xa5: {  	s25 =	simm.s32 $0x1B8E;
	s24 =	sld [smem:$0x3FFE];
	[sflag:s23] =	ssyncadd.s32 $0xFFFFFFFF  }
0xa6: {  	s26 =	simm.s32 $execute0_lowered;
	[smem:$0x3FD2] =	sst s25  }
0xa7: {  	s6 =	sshll.u32 s26, $0x1;
	_ =	strace $0x80000046;
	[dreg:$0x1] =	wrdreg $0xFFFFFFFF  }
0xa8: {  	s28 =	simm.s32 $_size_execute0_lowered;
	s4 =	sadd.s32 s4, s6;
	[dreg:$0x0] =	wrdreg $0x0  }
0xa9: {  	s6 =	sshll.u32 s28, $0x1;
	[dreg:$0x2] =	wrdreg s4  }
0xaa: {  	[dreg:$0x3] =	wrdreg s6  }
0xab: {  	[dreg:$0x4] =	wrdreg $0xC0  }
0xac: {  	_ =	task [dreg:s8], $0x5FFFF  }
0xad: {  	[dreg:$0x1] =	wrdreg $0xFFFFFFFF  }
0xae: {  	[dreg:$0x0] =	wrdreg $0x60  }
0xaf: {  	[dreg:$0x2] =	wrdreg s18  }
0xb0: {  	[dreg:$0x3] =	wrdreg s24  }
0xb1: {  	[dreg:$0x4] =	wrdreg s2  }
0xb2: {  	[dreg:$0x5] =	wrdreg $0x188800  }
0xb3: {  	[dreg:$0x6] =	wrdreg $0x9  }
0xb4: {  	_ =	task.clear_ibuf [dreg:s8], $0x7FFFF;
	_ =	strace $0x90000046  }
0xb5: {  	s29 =	simm.s32 $0x9;
	_ =	strace $0x80000048  }
0xb6: {  	_ =	swait.ge [sflag:s29], $0x1  }
0xb7: {  	[sflag:s29] =	ssyncadd.s32 $0xFFFFFFFF  }
0xb8: {  	_ =	strace $0x90000048  }
0xb9: {  	_ =	sfence  }
0xba: {  	s30 =	sld [smem:$0x0];
	_ =	sdelay $0x2  }
0xbb: {  	s31 =	sshll.u32 s1, $0xD;
	s1 =	sshrl.u32 s1, $0x2  }
0xbc: {  	s3 =	sand.u32 $0x4000, s31;
	s1 =	sadd.s32 s1, s30  }
0xbd: {  	s0 =	sor.u32 s3, s0;
	s1 =	sshll.u32 s1, $0x11  }
0xbe: {  	s0 =	sor.u32 s1, s0  }
0xbf: {  	s0 =	sadd.s32 $0x8F2B, s0  }
0xc0: {  	[sflag:s0] =	ssyncadd.remote.s32 $0x1  }
0xc1: {  	_ =	sfence.sel $0xFFFF  }
0xc2: {  	[dreg:$0x0] =	wrdreg $0xFFFFFFFF;
	(pc) =	sbr.abs _section_cstart, $3  }
0xc3: {  	[dreg:$0x1] =	wrdreg $0xFFFFFFFF  }
0xc4: {  	_ =	task.clear_ibuf [dreg:s8], $0x2FFFF;
	_ =	strace $0x9FFFFFFF  }
0xc5: {  	(tm) =	ssettm $0x7FFFFFFF  }
tec
execute0_lowered:
.L_overlay_start_1:
0x0: {  	(tag) =	ssettag $0x1  }
0x1: {  	s0 =	rddreg [dreg:$0x0]  }
0x2: {  	s7 =	rddreg [dreg:$0x1]  }
0x3: {  	s1 =	rddreg [dreg:$0x2]  }
0x4: {  	s28 =	rddreg [dreg:$0x3]  }
0x5: {  	s16 =	stileid.u32;
	s3 =	srdreg.scid  }
0x6: {  	s17 =	simm.s32 $0x1000;
	s18 =	simm.s32 $0x3;
	s19 =	simm.s32 $0x8000  }
0x7: {  	s23 =	simm.s32 $0x10000;
	s24 =	simm.s32 $0x14000;
	s25 =	simm.s32 $0x1  }
0x8: {  	s31 =	simm.s32 $0x0;
	s4 =	sshll.u32 s16, $0x1;
	s13 =	sshll.u32 s16, $0x8  }
0x9: {  	s6 =	sand.u32 $0x1, s3;
	s3 =	simm.s32 $0x0;
	s2 =	sadd.s32 $0x8400, s7  }
0xa: {  	p0 =	sne.s32 s16, $0x0;
	s16 =	simm.s32 $0x400;
	s4 =	sand.u32 $0x2, s4  }
0xb: {  	s5 =	sand.u32 $0xE00, s13;
	[smem:$0x7FF] =	sst s3;
	s10 =	sshll.u32 s6, $0x4  }
0xc: {  	s12 =	ssub.s32 $0x2, s6;
	s13 =	sor.u32 $0x3100, s13;
	s20 =	sor.u32 s6, s4  }
0xd: {  	s4 =	sor.u32 $0x3000, s5;
	_ =	strace $0x80000047;
	[dreg:$0x5] =	wrdreg s2  }
0xe: {  	s6 =	sadd.s32 $0x8600, s7;
	s14 =	sadd.s32 s10, s7;
	s26 =	sshrl.u32 s12, $0x1  }
0xf: {  	s8 =	sshll.u32 s20, $0x7;
	s5 =	sshrl.u32 s4, $0x3;
	s15 =	ssub.s32 s12, s26  }
0x10: {  	s29 =	sshll.u32 s4, $0x9;
	s14 =	sadd.s32 $0xA600, s14;
	p1 =	seq.s32 s20, $0x0  }
0x11: {  	s9 =	sadd.s32 s8, s7;
	s11 =	sadd.s32 s5, s7;
	s7 =	sshll.u32 s20, $0xA  }
0x12: {  	s26 =	simm.s32 $0x2;
	s8 =	sadd.s32 s0, s8;
	s30 =	sor.u32 s7, s29  }
0x13: {  	v0 =	vlaneseq.u32;
	s15 =	smax.u32 s15, $0x1;
	s9 =	sadd.s32 $0x4400, s9;
	s0 =	sshrl.u32 s30, $0x3  }
0x14: {  	v1 =	vmul.u32 $0x80, v0;
	s10 =	sadd.s32 $0x3C00, s11;
	s11 =	sadd.s32 $0x3400, s11;
	s12 =	sadd.s32 s1, s0  }
.LBB2_1:
0x15: {  	[tilespmem:s3], [sflag:$0x3] =	stream.strided.gather [hbm4b:s8+s16], $0x8000, s17, s16, $0x38;
	[tilespmem:$0x19880] =	vst v63  }
0x16: {  	_ =	swait.ge [sflag:s18], $0x8000  }
0x17: {  	[sflag:s18] =	ssyncset.done $0x0  }
0x18: {  	[sflag:s18] =	ssyncadd.s32 $0xFFFF8000  }
0x19: {  	[tilespmem:s19], [sflag:$0x3] =	stream.strided.gather [hbm4b:s9+s16], $0x8000, s17, s16, $0x38;
	[tilespmem:$0x19880] =	vst v63  }
0x1a: {  	_ =	swait.ge [sflag:s18], $0x8000  }
0x1b: {  	[sflag:s18] =	ssyncset.done $0x0  }
0x1c: {  	s0 =	simm.s32 $0x18000;
	[sflag:s18] =	ssyncadd.s32 $0xFFFF8000  }
0x1d: {  	[tilespmem:s0], [sflag:$0x3] =	stream.linear.gather [hbm4b:s10+s3], $0x200, $0x38;
	[tilespmem:$0x19880] =	vst v63  }
0x1e: {  	_ =	swait.ge [sflag:s18], $0x200  }
0x1f: {  	[sflag:s18] =	ssyncset.done $0x0  }
0x20: {  	s29 =	simm.s32 $0x18200;
	[sflag:s18] =	ssyncadd.s32 $0xFFFFFE00  }
0x21: {  	[tilespmem:s29], [sflag:$0x3] =	stream.linear.gather [hbm4b:s11+s3], $0x200, $0x38;
	[tilespmem:$0x19880] =	vst v63  }
0x22: {  	_ =	swait.ge [sflag:s18], $0x200  }
0x23: {  	[sflag:s18] =	ssyncset.done $0x0  }
0x24: {  	s2 =	simm.s32 $0x18800;
	s30 =	rddreg [dreg:$0x5];
	[sflag:s18] =	ssyncadd.s32 $0xFFFFFE00  }
0x25: {  	[tilespmem:s2], [sflag:$0x3] =	stream.linear.gather [hbm4b:s30+s3], $0x80, $0x38;
	[tilespmem:$0x19880] =	vst v63  }
0x26: {  	_ =	swait.ge [sflag:s18], $0x80  }
0x27: {  	[sflag:s18] =	ssyncset.done $0x0  }
0x28: {  	s20 =	simm.s32 @!p0 $0x1C03;
	s0 =	sshrl.u32 @!p0 s28, $0x3;
	[sflag:s18] =	ssyncadd.s32 $0xFFFFFF80  }
0x29: {  	[spmem:s0], [sflag:s20] =	dma.local @!p0 [hbm:s6], $0x2000  }
0x2a: {  	s20 =	simm.s32 @!p0 $0x3  }
0x2b: {  	_ =	swait.ge @!p0 [sflag:s20], $0x2000  }
0x2c: {  	[sflag:s20] =	ssyncset.done @!p0 $0x0  }
0x2d: {  	[sflag:s20] =	ssyncadd.s32 @!p0 $0xFFFFE000  }
0x2e: {  	[bflag:$0x0] =	sbarrier.arrive $0xFFFF  }
0x2f: {  	v2 =	vld [tilespmem:$0x18800];
	_ =	sdelay $0x2  }
0x30: {  	s5 =	smov.u32 s28  }
0x31: {  	p4 =	por $0x1, $0x1;
	p3 =	por $0x0, $0x0;
	s21 =	simm.s32 $0x0  }
0x32: {  	[tilespmem:s23], [sflag:$0x1] =	stream.strided.gather [hbm4b:s12+s16], $0x4000, s17, s16, $0x38;
	v2 =	vpsel !p1, $0x0, v2;
	[tilespmem:$0x19880] =	vst v63  }
.LBB2_2:
0x33: {  	s20 =	sor.u32 $0x80, s21  }
0x34: {  	s22 =	sor.u32 s4, s20  }
0x35: {  	s22 =	sshll.u32 s22, $0x9  }
0x36: {  	s22 =	sor.u32 s7, s22  }
0x37: {  	s22 =	sshrl.u32 s22, $0x3  }
0x38: {  	s22 =	sadd.s32 s1, s22  }
0x39: {  	[tilespmem:s24], [sflag:$0x2] =	stream.strided.gather [hbm4b:s22+s16], $0x4000, s17, s16, $0x38;
	[tilespmem:$0x19880] =	vst v63  }
0x3a: {  	_ =	swait.ge [sflag:s25], $0x4000  }
0x3b: {  	[sflag:s25] =	ssyncset.done $0x0  }
0x3c: {  	p2 =	por p4, p4;
	s22 =	simm.s32 $0x0;
	[sflag:s25] =	ssyncadd.s32 $0xFFFFC000  }
.LBB2_3:
0x3d: {  	s29 =	sshll.u32 s22, $0x4  }
0x3e: {  	s28 =	sor.u32 s21, s29  }
0x3f: {  	s30 =	simm.s32 $0x2;
	v5 =	vmov s29;
	s29 =	simm.s32 $0x7;
	v4 =	vld [tilespmem:s28+$0x18000]  }
0x40: {  	v13 =	vadd.s32 s30, v0;
	v3 =	vld [tilespmem:s28+$0x18200];
	v5 =	vshll.u32 v5, $0x7;
	v6 =	vadd.s32 s29, v0;
	s29 =	simm.s32 $0x0  }
0x41: {  	v5 =	vor.u32 v1, v5;
	v8 =	vand.u32 $0x7F, v6;
	v10 =	vadd.s32 s29, v0;
	s29 =	simm.s32 $0x1  }
0x42: {  	v17 =	vand.u32 $0x7F, v13;
	v9 =	vor.u32 v5, v8;
	v12 =	vadd.s32 s29, v0  }
0x43: {  	v18 =	vor.u32 v5, v17;
	v12 =	vand.u32 $0x7F, v12  }
0x44: {  	v16 =	vor.u32 v5, v12;
	v6 =	vshll.u32 v4, $0x7  }
0x45: {  	v7 =	vshll.u32 v3, $0x7;
	v11 =	vor.u32 v6, v8  }
0x46: {  	v10 =	vand.u32 $0x7F, v10;
	v8 =	vor.u32 v7, v8  }
0x47: {  	v15 =	vor.u32 v5, v10;
	v13 =	vld.idx.msk [tilespmem:v9+s23+$0x0], $0xffff  }
0x48: {  	v19 =	vor.u32 v6, v10;
	v20 =	vor.u32 v7, v10;
	v10 =	vld.idx.msk [tilespmem:v18+s23+$0x0], $0xffff  }
0x49: {  	v21 =	vor.u32 v6, v12;
	v9 =	vld.idx.msk [tilespmem:v16+s23+$0x0], $0xffff  }
0x4a: {  	v11 =	vld.idx.msk [tilespmem:v11+s3+$0x0], $0xffff  }
0x4b: {  	s29 =	simm.s32 $0x3;
	v12 =	vor.u32 v7, v12;
	v14 =	vld.idx.msk [tilespmem:v8+s19+$0x0], $0xffff  }
0x4c: {  	v23 =	vor.u32 v7, v17;
	v8 =	vld.idx.msk [tilespmem:v15+s23+$0x0], $0xffff;
	v15 =	vadd.s32 s29, v0  }
0x4d: {  	v22 =	vor.u32 v6, v17;
	v17 =	vld.idx.msk [tilespmem:v20+s19+$0x0], $0xffff;
	s29 =	simm.s32 $0x4;
	v16 =	vand.u32 $0x7F, v15  }
0x4e: {  	v18 =	vld.idx.msk [tilespmem:v21+s3+$0x0], $0xffff;
	v20 =	vadd.s32 s29, v0;
	v26 =	vor.u32 v6, v16  }
0x4f: {  	v15 =	vld.idx.msk [tilespmem:v19+s3+$0x0], $0xffff;
	s29 =	simm.s32 $0x5;
	v27 =	vor.u32 v7, v16;
	v24 =	vand.u32 $0x7F, v20  }
0x50: {  	v19 =	vld.idx.msk [tilespmem:v12+s19+$0x0], $0xffff;
	v12 =	vadd.s32 s29, v0;
	v28 =	vor.u32 v6, v24  }
0x51: {  	s2 =	simm.s32 $0x6;
	v21 =	vld.idx.msk [tilespmem:v23+s19+$0x0], $0xffff;
	v29 =	vor.u32 v7, v24;
	v25 =	vand.u32 $0x7F, v12  }
0x52: {  	v23 =	vadd.s32 s2, v0;
	v20 =	vld.idx.msk [tilespmem:v22+s3+$0x0], $0xffff;
	v31 =	vor.u32 v6, v25  }
0x53: {  	v30 =	vor.u32 v7, v25;
	v22 =	vld.idx.msk [tilespmem:v26+s3+$0x0], $0xffff;
	v26 =	vand.u32 $0x7F, v23  }
0x54: {  	s29 =	simm.s32 $0xF;
	v12 =	vmov v2;
	v23 =	vld.idx.msk [tilespmem:v27+s19+$0x0], $0xffff;
	v27 =	vor.u32 v6, v26  }
.LBB2_4:
0x55: {  	p4 =	sne.s32 s29, $0x7F;
	v28 =	vld.idx.msk [tilespmem:v28+s3+$0x0], $0xffff;
	v32 =	vor.u32 v7, v26  }
0x56: {  	v16 =	vor.u32 v5, v16;
	v29 =	vld.idx.msk [tilespmem:v29+s19+$0x0], $0xffff  }
0x57: {  	s30 =	sadd.s32 $0xFFFFFFF9, s29;
	v33 =	vadd.s32 s29, v0;
	v24 =	vor.u32 v5, v24;
	v31 =	vld.idx.msk [tilespmem:v31+s3+$0x0], $0xffff  }
0x58: {  	s2 =	sadd.s32 $0xFFFFFFFB, s29;
	v25 =	vor.u32 v5, v25;
	v34 =	vadd.s32 s30, v0;
	s30 =	sadd.s32 $0xFFFFFFFA, s29;
	v33 =	vand.u32 $0x7F, v33;
	v30 =	vld.idx.msk [tilespmem:v30+s19+$0x0], $0xffff  }
0x59: {  	v26 =	vor.u32 v5, v26;
	v36 =	vadd.s32 s2, v0;
	s2 =	sadd.s32 $0xFFFFFFFC, s29;
	v35 =	vadd.s32 s30, v0;
	s30 =	sadd.s32 $0xFFFFFFFD, s29;
	v27 =	vld.idx.msk [tilespmem:v27+s3+$0x0], $0xffff  }
0x5a: {  	v37 =	vadd.s32 s2, v0;
	v39 =	vor.u32 v5, v33;
	v38 =	vadd.s32 s30, v0;
	v32 =	vld.idx.msk [tilespmem:v32+s19+$0x0], $0xffff  }
0x5b: {  	v34 =	vand.u32 $0x7F, v34;
	v40 =	vor.u32 v6, v33;
	v33 =	vor.u32 v7, v33;
	v41 =	vld.idx.msk [tilespmem:v16+s23+$0x0], $0xffff  }
0x5c: {  	v36 =	vand.u32 $0x7F, v36;
	v35 =	vand.u32 $0x7F, v35;
	v16 =	vand.u32 $0x7F, v37;
	v24 =	vld.idx.msk [tilespmem:v24+s23+$0x0], $0xffff  }
0x5d: {  	v15 =	vmul.f32 v17, v15;
	v37 =	vor.u32 v5, v34;
	v17 =	vld.idx.msk [tilespmem:v25+s23+$0x0], $0xffff;
	v25 =	vmul.f32 v14, v11  }
0x5e: {  	v18 =	vmul.f32 v19, v18;
	v19 =	vmul.f32 v21, v20;
	v42 =	vor.u32 v5, v35;
	v20 =	vld.idx.msk [tilespmem:v26+s23+$0x0], $0xffff  }
0x5f: {  	v21 =	vor.u32 v5, v36;
	v22 =	vmul.f32 v23, v22;
	v23 =	vmul.f32 v29, v28;
	v26 =	vld.idx.msk [tilespmem:v39+s23+$0x0], $0xffff  }
0x60: {  	v28 =	vor.u32 v6, v34;
	v29 =	vmul.f32 v30, v31;
	v27 =	vmul.f32 v32, v27;
	v11 =	vld.idx.msk [tilespmem:v40+s3+$0x0], $0xffff  }
0x61: {  	v30 =	vor.u32 v7, v34;
	v31 =	vmul.f32 v8, v15;
	v13 =	vmul.f32 v13, v25;
	v14 =	vld.idx.msk [tilespmem:v33+s19+$0x0], $0xffff  }
0x62: {  	v18 =	vmul.f32 v9, v18;
	v19 =	vmul.f32 v10, v19;
	v25 =	vor.u32 v6, v35;
	v8 =	vld.idx.msk [tilespmem:v37+s23+$0x0], $0xffff  }
0x63: {  	v32 =	vor.u32 v7, v35;
	v22 =	vmul.f32 v41, v22;
	v23 =	vmul.f32 v24, v23;
	v9 =	vld.idx.msk [tilespmem:v42+s23+$0x0], $0xffff  }
0x64: {  	v33 =	vor.u32 v6, v36;
	v20 =	vmul.f32 v20, v27;
	v10 =	vld.idx.msk [tilespmem:v21+s23+$0x0], $0xffff;
	v21 =	vmul.f32 v17, v29  }
0x65: {  	v22 =	vadd.f32 v22, v19;
	v27 =	vor.u32 v7, v36;
	v29 =	vadd.f32 v18, v31;
	v15 =	vld.idx.msk [tilespmem:v28+s3+$0x0], $0xffff  }
0x66: {  	s2 =	sadd.s32 $0xFFFFFFFE, s29;
	v20 =	vadd.f32 v13, v20;
	v17 =	vld.idx.msk [tilespmem:v30+s19+$0x0], $0xffff;
	v30 =	vor.u32 v6, v16;
	v21 =	vadd.f32 v21, v23  }
0x67: {  	v24 =	vand.u32 $0x7F, v38;
	v13 =	vmovc v26;
	v23 =	vor.u32 v7, v16;
	v18 =	vld.idx.msk [tilespmem:v25+s3+$0x0], $0xffff;
	v25 =	vadd.s32 s2, v0  }
.Ltmp0:
0x68: {  	v28 =	vor.u32 v6, v24;
	v22 =	vadd.f32 v22, v29;
	v19 =	vld.idx.msk [tilespmem:v32+s19+$0x0], $0xffff;
	v26 =	vadd.f32 v20, v21;
	(pc) =	sbr.rel @p4 .LBB2_4-.Ltmp0, $4  }
0x69: {  	v29 =	vor.u32 v7, v24;
	s2 =	sadd.s32 $0xFFFFFFFF, s29;
	v25 =	vand.u32 $0x7F, v25;
	v20 =	vld.idx.msk [tilespmem:v33+s3+$0x0], $0xffff  }
0x6a: {  	v31 =	vor.u32 v6, v25;
	v21 =	vld.idx.msk [tilespmem:v27+s19+$0x0], $0xffff;
	v27 =	vadd.s32 s2, v0;
	v32 =	vadd.f32 v26, v22  }
0x6b: {  	v22 =	vld.idx.msk [tilespmem:v30+s3+$0x0], $0xffff;
	v30 =	vor.u32 v7, v25;
	v26 =	vand.u32 $0x7F, v27  }
0x6c: {  	s29 =	sadd.s32 $0x8, s29;
	v23 =	vld.idx.msk [tilespmem:v23+s19+$0x0], $0xffff;
	v27 =	vor.u32 v6, v26;
	v12 =	vadd.f32 v32, v12  }
0x6d: {  	_ =	sdelay $0x3  }
0x6e: {  	v6 =	vld.idx.msk [tilespmem:v28+s3+$0x0], $0xffff;
	v7 =	vor.u32 v7, v26  }
0x6f: {  	v16 =	vor.u32 v5, v16;
	v53 =	vld.idx.msk [tilespmem:v29+s19+$0x0], $0xffff  }
0x70: {  	v24 =	vor.u32 v5, v24;
	v54 =	vld.idx.msk [tilespmem:v31+s3+$0x0], $0xffff  }
0x71: {  	v30 =	vld.idx.msk [tilespmem:v30+s19+$0x0], $0xffff;
	v25 =	vor.u32 v5, v25  }
0x72: {  	v27 =	vld.idx.msk [tilespmem:v27+s3+$0x0], $0xffff;
	v55 =	vor.u32 v5, v26  }
0x73: {  	v7 =	vld.idx.msk [tilespmem:v7+s19+$0x0], $0xffff  }
0x74: {  	v16 =	vld.idx.msk [tilespmem:v16+s23+$0x0], $0xffff  }
0x75: {  	v15 =	vmul.f32 v17, v15;
	v11 =	vmul.f32 v14, v11;
	v24 =	vld.idx.msk [tilespmem:v24+s23+$0x0], $0xffff  }
0x76: {  	v57 =	vmul.f32 v19, v18;
	v58 =	vmul.f32 v21, v20;
	v56 =	vld.idx.msk [tilespmem:v25+s23+$0x0], $0xffff  }
0x77: {  	v8 =	vmul.f32 v8, v15;
	v11 =	vmul.f32 v13, v11;
	v5 =	vld.idx.msk [tilespmem:v55+s23+$0x0], $0xffff  }
0x78: {  	v9 =	vmul.f32 v9, v57;
	v59 =	vmul.f32 v23, v22  }
0x79: {  	v10 =	vmul.f32 v10, v58;
	v6 =	vmul.f32 v53, v6  }
0x7a: {  	v60 =	vmul.f32 v30, v54;
	v7 =	vmul.f32 v7, v27  }
0x7b: {  	v61 =	vmul.f32 v16, v59;
	v6 =	vmul.f32 v24, v6  }
0x7c: {  	v14 =	vmul.f32 v56, v60;
	v5 =	vmul.f32 v5, v7  }
0x7d: {  	v62 =	vadd.f32 v9, v8;
	v63 =	vadd.f32 v61, v10  }
0x7e: {  	v6 =	vadd.f32 v14, v6;
	v5 =	vadd.f32 v11, v5;
	_ =	sdelay $0x1  }
0x7f: {  	s22 =	sadd.s32 $0x1, s22;
	v7 =	vadd.f32 v63, v62;
	v5 =	vadd.f32 v5, v6  }
0x80: {  	p4 =	sne.s32 s22, $0x8  }
.Ltmp1:
0x81: {  	v5 =	vadd.f32 v5, v7;
	(pc) =	sbr.rel @p4 .LBB2_3-.Ltmp1, $4  }
0x82: {  	v4 =	vshll.u32 v4, $0x8  }
0x83: {  	v3 =	vadd.s32 v3, v4;
	v5 =	vadd.f32 v5, v12  }
0x84: {  	[tilespmem:s28+$0x18400] =	vst v3  }
0x85: {  	[tilespmem:s28+$0x18600] =	vst v5  }
0x86: {  	s2 =	sadd.s32 @!p3 s21, s13  }
0x87: {  	s2 =	sshll.u32 @!p3 s2, $0x9  }
0x88: {  	s2 =	sor.u32 @!p3 s7, s2  }
0x89: {  	s21 =	simm.s32 @!p3 $0x400;
	s2 =	sshrl.u32 @!p3 s2, $0x3  }
0x8a: {  	s22 =	simm.s32 @!p3 $0x1000;
	s28 =	simm.s32 @!p3 $0x10000;
	s2 =	sadd.s32 @!p3 s1, s2  }
0x8b: {  	[tilespmem:s28], [sflag:$0x1] =	stream.strided.gather @!p3 [hbm4b:s2+s21], $0x4000, s22, s21, $0x38;
	[tilespmem:$0x19880] =	vst v63  }
0x8c: {  	_ =	swait.ge [sflag:s26], $0x4000  }
0x8d: {  	[sflag:s26] =	ssyncset.done $0x0  }
0x8e: {  	s21 =	simm.s32 $0x0;
	[sflag:s26] =	ssyncadd.s32 $0xFFFFC000  }
.LBB2_7:
0x8f: {  	s2 =	sshll.u32 s21, $0x4  }
0x90: {  	s22 =	sor.u32 s20, s2  }
0x91: {  	s29 =	simm.s32 $0x7;
	v5 =	vmov s2;
	v4 =	vld [tilespmem:s22+$0x18000]  }
0x92: {  	v6 =	vadd.s32 s29, v0;
	s29 =	simm.s32 $0x1;
	v3 =	vld [tilespmem:s22+$0x18200];
	v5 =	vshll.u32 v5, $0x7  }
0x93: {  	s28 =	simm.s32 $0x2;
	v8 =	vand.u32 $0x7F, v6;
	v12 =	vadd.s32 s29, v0;
	v5 =	vor.u32 v1, v5  }
0x94: {  	v13 =	vadd.s32 s28, v0;
	v12 =	vand.u32 $0x7F, v12;
	v9 =	vor.u32 v5, v8  }
0x95: {  	v17 =	vand.u32 $0x7F, v13;
	v16 =	vor.u32 v5, v12  }
0x96: {  	s30 =	simm.s32 $0x0;
	v18 =	vor.u32 v5, v17;
	v6 =	vshll.u32 v4, $0x7  }
0x97: {  	v10 =	vadd.s32 s30, v0;
	v7 =	vshll.u32 v3, $0x7;
	v11 =	vor.u32 v6, v8  }
0x98: {  	v10 =	vand.u32 $0x7F, v10;
	v8 =	vor.u32 v7, v8  }
0x99: {  	v15 =	vor.u32 v5, v10;
	v13 =	vld.idx.msk [tilespmem:v9+s24+$0x0], $0xffff  }
0x9a: {  	v20 =	vor.u32 v7, v10;
	v9 =	vld.idx.msk [tilespmem:v16+s24+$0x0], $0xffff  }
0x9b: {  	v19 =	vor.u32 v6, v10;
	v21 =	vor.u32 v6, v12;
	v10 =	vld.idx.msk [tilespmem:v18+s24+$0x0], $0xffff  }
0x9c: {  	v11 =	vld.idx.msk [tilespmem:v11+s3+$0x0], $0xffff  }
0x9d: {  	s30 =	simm.s32 $0x3;
	v12 =	vor.u32 v7, v12;
	v14 =	vld.idx.msk [tilespmem:v8+s19+$0x0], $0xffff  }
0x9e: {  	v23 =	vor.u32 v7, v17;
	v8 =	vld.idx.msk [tilespmem:v15+s24+$0x0], $0xffff;
	v15 =	vadd.s32 s30, v0  }
0x9f: {  	s29 =	simm.s32 $0x4;
	v22 =	vor.u32 v6, v17;
	v17 =	vld.idx.msk [tilespmem:v20+s19+$0x0], $0xffff;
	v16 =	vand.u32 $0x7F, v15  }
0xa0: {  	v18 =	vld.idx.msk [tilespmem:v21+s3+$0x0], $0xffff;
	v20 =	vadd.s32 s29, v0;
	v26 =	vor.u32 v6, v16  }
0xa1: {  	s30 =	simm.s32 $0x5;
	v15 =	vld.idx.msk [tilespmem:v19+s3+$0x0], $0xffff;
	v24 =	vand.u32 $0x7F, v20;
	v27 =	vor.u32 v7, v16  }
0xa2: {  	v19 =	vld.idx.msk [tilespmem:v12+s19+$0x0], $0xffff;
	v12 =	vadd.s32 s30, v0;
	v28 =	vor.u32 v6, v24  }
0xa3: {  	s28 =	simm.s32 $0x6;
	v21 =	vld.idx.msk [tilespmem:v23+s19+$0x0], $0xffff;
	v29 =	vor.u32 v7, v24;
	v25 =	vand.u32 $0x7F, v12  }
0xa4: {  	v23 =	vadd.s32 s28, v0;
	v20 =	vld.idx.msk [tilespmem:v22+s3+$0x0], $0xffff;
	v31 =	vor.u32 v6, v25  }
0xa5: {  	v30 =	vor.u32 v7, v25;
	v22 =	vld.idx.msk [tilespmem:v26+s3+$0x0], $0xffff;
	v26 =	vand.u32 $0x7F, v23  }
0xa6: {  	s28 =	simm.s32 $0xF;
	v12 =	vmov v2;
	v23 =	vld.idx.msk [tilespmem:v27+s19+$0x0], $0xffff;
	v27 =	vor.u32 v6, v26  }
.LBB2_8:
0xa7: {  	p3 =	sne.s32 s28, $0x7F;
	v28 =	vld.idx.msk [tilespmem:v28+s3+$0x0], $0xffff;
	v32 =	vor.u32 v7, v26  }
0xa8: {  	v16 =	vor.u32 v5, v16;
	v29 =	vld.idx.msk [tilespmem:v29+s19+$0x0], $0xffff  }
0xa9: {  	s2 =	sadd.s32 $0xFFFFFFF9, s28;
	v33 =	vadd.s32 s28, v0;
	v24 =	vor.u32 v5, v24;
	v31 =	vld.idx.msk [tilespmem:v31+s3+$0x0], $0xffff  }
0xaa: {  	s29 =	sadd.s32 $0xFFFFFFFB, s28;
	v25 =	vor.u32 v5, v25;
	v34 =	vadd.s32 s2, v0;
	s2 =	sadd.s32 $0xFFFFFFFA, s28;
	v33 =	vand.u32 $0x7F, v33;
	v30 =	vld.idx.msk [tilespmem:v30+s19+$0x0], $0xffff  }
0xab: {  	v26 =	vor.u32 v5, v26;
	v36 =	vadd.s32 s29, v0;
	s29 =	sadd.s32 $0xFFFFFFFD, s28;
	v35 =	vadd.s32 s2, v0;
	s2 =	sadd.s32 $0xFFFFFFFC, s28;
	v27 =	vld.idx.msk [tilespmem:v27+s3+$0x0], $0xffff  }
0xac: {  	v38 =	vadd.s32 s29, v0;
	v39 =	vor.u32 v5, v33;
	v37 =	vadd.s32 s2, v0;
	v32 =	vld.idx.msk [tilespmem:v32+s19+$0x0], $0xffff  }
0xad: {  	v34 =	vand.u32 $0x7F, v34;
	v40 =	vor.u32 v6, v33;
	v33 =	vor.u32 v7, v33;
	v41 =	vld.idx.msk [tilespmem:v16+s24+$0x0], $0xffff  }
0xae: {  	v36 =	vand.u32 $0x7F, v36;
	v35 =	vand.u32 $0x7F, v35;
	v16 =	vand.u32 $0x7F, v37;
	v24 =	vld.idx.msk [tilespmem:v24+s24+$0x0], $0xffff  }
0xaf: {  	v15 =	vmul.f32 v17, v15;
	v37 =	vor.u32 v5, v34;
	v17 =	vld.idx.msk [tilespmem:v25+s24+$0x0], $0xffff;
	v25 =	vmul.f32 v14, v11  }
0xb0: {  	v18 =	vmul.f32 v19, v18;
	v19 =	vmul.f32 v21, v20;
	v42 =	vor.u32 v5, v35;
	v20 =	vld.idx.msk [tilespmem:v26+s24+$0x0], $0xffff  }
0xb1: {  	v21 =	vor.u32 v5, v36;
	v22 =	vmul.f32 v23, v22;
	v23 =	vmul.f32 v29, v28;
	v26 =	vld.idx.msk [tilespmem:v39+s24+$0x0], $0xffff  }
0xb2: {  	v28 =	vor.u32 v6, v34;
	v29 =	vmul.f32 v30, v31;
	v27 =	vmul.f32 v32, v27;
	v11 =	vld.idx.msk [tilespmem:v40+s3+$0x0], $0xffff  }
0xb3: {  	v30 =	vor.u32 v7, v34;
	v31 =	vmul.f32 v8, v15;
	v13 =	vmul.f32 v13, v25;
	v14 =	vld.idx.msk [tilespmem:v33+s19+$0x0], $0xffff  }
0xb4: {  	v18 =	vmul.f32 v9, v18;
	v19 =	vmul.f32 v10, v19;
	v25 =	vor.u32 v6, v35;
	v8 =	vld.idx.msk [tilespmem:v37+s24+$0x0], $0xffff  }
0xb5: {  	v32 =	vor.u32 v7, v35;
	v22 =	vmul.f32 v41, v22;
	v23 =	vmul.f32 v24, v23;
	v9 =	vld.idx.msk [tilespmem:v42+s24+$0x0], $0xffff  }
0xb6: {  	v33 =	vor.u32 v6, v36;
	v20 =	vmul.f32 v20, v27;
	v10 =	vld.idx.msk [tilespmem:v21+s24+$0x0], $0xffff;
	v21 =	vmul.f32 v17, v29  }
0xb7: {  	v22 =	vadd.f32 v22, v19;
	v27 =	vor.u32 v7, v36;
	v29 =	vadd.f32 v18, v31;
	v15 =	vld.idx.msk [tilespmem:v28+s3+$0x0], $0xffff  }
0xb8: {  	s2 =	sadd.s32 $0xFFFFFFFE, s28;
	v20 =	vadd.f32 v13, v20;
	v17 =	vld.idx.msk [tilespmem:v30+s19+$0x0], $0xffff;
	v30 =	vor.u32 v6, v16;
	v21 =	vadd.f32 v21, v23  }
0xb9: {  	v24 =	vand.u32 $0x7F, v38;
	v13 =	vmovc v26;
	v23 =	vor.u32 v7, v16;
	v18 =	vld.idx.msk [tilespmem:v25+s3+$0x0], $0xffff;
	v25 =	vadd.s32 s2, v0  }
.Ltmp2:
0xba: {  	v28 =	vor.u32 v6, v24;
	v22 =	vadd.f32 v22, v29;
	v19 =	vld.idx.msk [tilespmem:v32+s19+$0x0], $0xffff;
	v26 =	vadd.f32 v20, v21;
	(pc) =	sbr.rel @p3 .LBB2_8-.Ltmp2, $4  }
0xbb: {  	v29 =	vor.u32 v7, v24;
	s2 =	sadd.s32 $0xFFFFFFFF, s28;
	v25 =	vand.u32 $0x7F, v25;
	v20 =	vld.idx.msk [tilespmem:v33+s3+$0x0], $0xffff  }
0xbc: {  	v31 =	vor.u32 v6, v25;
	v21 =	vld.idx.msk [tilespmem:v27+s19+$0x0], $0xffff;
	v27 =	vadd.s32 s2, v0;
	v32 =	vadd.f32 v26, v22  }
0xbd: {  	v22 =	vld.idx.msk [tilespmem:v30+s3+$0x0], $0xffff;
	v30 =	vor.u32 v7, v25;
	v26 =	vand.u32 $0x7F, v27  }
0xbe: {  	s28 =	sadd.s32 $0x8, s28;
	v23 =	vld.idx.msk [tilespmem:v23+s19+$0x0], $0xffff;
	v27 =	vor.u32 v6, v26;
	v12 =	vadd.f32 v32, v12  }
0xbf: {  	_ =	sdelay $0x3  }
0xc0: {  	v6 =	vld.idx.msk [tilespmem:v28+s3+$0x0], $0xffff;
	v7 =	vor.u32 v7, v26  }
0xc1: {  	v16 =	vor.u32 v5, v16;
	v53 =	vld.idx.msk [tilespmem:v29+s19+$0x0], $0xffff  }
0xc2: {  	v24 =	vor.u32 v5, v24;
	v54 =	vld.idx.msk [tilespmem:v31+s3+$0x0], $0xffff  }
0xc3: {  	v30 =	vld.idx.msk [tilespmem:v30+s19+$0x0], $0xffff;
	v25 =	vor.u32 v5, v25  }
0xc4: {  	v27 =	vld.idx.msk [tilespmem:v27+s3+$0x0], $0xffff;
	v55 =	vor.u32 v5, v26  }
0xc5: {  	v7 =	vld.idx.msk [tilespmem:v7+s19+$0x0], $0xffff  }
0xc6: {  	v16 =	vld.idx.msk [tilespmem:v16+s24+$0x0], $0xffff  }
0xc7: {  	v15 =	vmul.f32 v17, v15;
	v11 =	vmul.f32 v14, v11;
	v24 =	vld.idx.msk [tilespmem:v24+s24+$0x0], $0xffff  }
0xc8: {  	v57 =	vmul.f32 v19, v18;
	v58 =	vmul.f32 v21, v20;
	v56 =	vld.idx.msk [tilespmem:v25+s24+$0x0], $0xffff  }
0xc9: {  	v8 =	vmul.f32 v8, v15;
	v11 =	vmul.f32 v13, v11;
	v5 =	vld.idx.msk [tilespmem:v55+s24+$0x0], $0xffff  }
0xca: {  	v9 =	vmul.f32 v9, v57;
	v59 =	vmul.f32 v23, v22  }
0xcb: {  	v10 =	vmul.f32 v10, v58;
	v6 =	vmul.f32 v53, v6  }
0xcc: {  	v60 =	vmul.f32 v30, v54;
	v7 =	vmul.f32 v7, v27  }
0xcd: {  	v61 =	vmul.f32 v16, v59;
	v6 =	vmul.f32 v24, v6  }
0xce: {  	v14 =	vmul.f32 v56, v60;
	v5 =	vmul.f32 v5, v7  }
0xcf: {  	v62 =	vadd.f32 v9, v8;
	v63 =	vadd.f32 v61, v10  }
0xd0: {  	v6 =	vadd.f32 v14, v6;
	v5 =	vadd.f32 v11, v5;
	_ =	sdelay $0x1  }
0xd1: {  	s21 =	sadd.s32 $0x1, s21;
	v7 =	vadd.f32 v63, v62;
	v5 =	vadd.f32 v5, v6  }
0xd2: {  	p3 =	sne.s32 s21, $0x8  }
.Ltmp3:
0xd3: {  	v5 =	vadd.f32 v5, v7;
	(pc) =	sbr.rel @p3 .LBB2_7-.Ltmp3, $4  }
0xd4: {  	v4 =	vshll.u32 v4, $0x8  }
0xd5: {  	v3 =	vadd.s32 v3, v4;
	v5 =	vadd.f32 v5, v12  }
0xd6: {  	[tilespmem:s22+$0x18400] =	vst v3  }
0xd7: {  	[tilespmem:s22+$0x18600] =	vst v5  }
.Ltmp4:
0xd8: {  	(pc) =	sbr.rel @p2 .LBB2_2-.Ltmp4, $2  }
0xd9: {  	_ =	sdelay $0x2  }
0xda: {  	s21 =	simm.s32 $0x100;
	p4 =	por $0x0, $0x0;
	p3 =	por $0x1, $0x1  }
0xdb: {  	s28 =	smov.u32 s5  }
0xdc: {  	s2 =	simm.s32 $0x200;
	s30 =	simm.s32 $0x18400;
	s20 =	simm.s32 $0x18600  }
0xdd: {  	[spmem:s28] =	stream.indirect.scatter.add.f32 [tilespmem:s20], [sflag:$0x3], $0x1, s30, s2, $0xb8;
	[tilespmem:$0x19880] =	vst v63  }
0xde: {  	_ =	swait.ge [sflag:s18], $0x200  }
0xdf: {  	s21 =	simm.s32 @!p0 $0x10;
	s22 =	simm.s32 @!p0 $0x1C03;
	[sflag:s18] =	ssyncset.done $0x0  }
0xe0: {  	s31 =	sadd.s32 $0x1, s31;
	s2 =	simm.s32 @!p0 $0x1;
	[sflag:s18] =	ssyncadd.s32 $0xFFFFFE00  }
0xe1: {  	s20 =	simm.s32 @!p0 $0x20;
	p2 =	sne.s32 s31, s15;
	[bflag:$0x0] =	sbarrier.arrive $0xFFFF  }
0xe2: {  	[hbm:s14@s20], [sflag:s22] =	dma.strided @!p0 [spmem:s0@s21], $0x2000, s2, $0x10   }
.Ltmp5:
0xe3: {  	_ = 	snop;
	(pc) =	sbr.rel @p2 .LBB2_1-.Ltmp5, $4  }
0xe4: {  	s0 =	simm.s32 @!p0 $0x3  }
0xe5: {  	_ =	swait.ge @!p0 [sflag:s0], $0x2000  }
0xe6: {  	[sflag:s0] =	ssyncset.done @!p0 $0x0  }
0xe7: {  	[sflag:s0] =	ssyncadd.s32 @!p0 $0xFFFFE000  }
0xe8: {  	_ =	sfence.sel $0x180000  }
0xe9: {  	[bflag:$0x0] =	sbarrier.arrive $0xFFFF  }
0xea: {  	_ =	strace $0x90000047  }
0xeb: {  	[bflag:$0x2] =	sbarrier.arrive $0xFFFF  }
0xec: {  	s0 =	rddreg [dreg:$0x4]  }
0xed: {  	s0 =	sadd.s32 @!p0 $0x100000, s0  }
0xee: {  	[sflag:s0] =	ssyncadd.tile.s32 @!p0 $0x1;
	_ =	shalt  }
.Lfunc_end2:
_tile_overlayer_lowered:
.L_overlay_start_2:
0xef: {  	(tag) =	ssettag $0x2  }
0xf0: {  	s0 =	rddreg [dreg:$0x0];
	s2 =	stileid.u32  }
0xf1: {  	s1 =	rddreg [dreg:$0x1];
	p0 =	sne.s32 s2, $0x0  }
0xf2: {  	s3 =	rddreg [dreg:$0x2];
	[bflag:$0x3] =	sbarrier.arrive $0xFFFF;
	s2 =	simm.s32 @!p0 $0x1C03  }
0xf3: {  	[timem:s3], [sflag:s2] =	dma.local @!p0 [hbm:s0], s1  }
0xf4: {  	s0 =	simm.s32 @!p0 $0x3  }
0xf5: {  	_ =	swait.ge @!p0 [sflag:s0], s1  }
0xf6: {  	s1 =	ssub.s32 @!p0 $0x0, s1;
	[sflag:s0] =	ssyncset.done @!p0 $0x0  }
0xf7: {  	[sflag:s0] =	ssyncadd.s32 @!p0 s1  }
0xf8: {  	[bflag:$0x3] =	sbarrier.arrive $0xFFFF  }
0xf9: {  	_ =	shalt  }

</sc_bundles>
